<compile_context>
chip_gen: v7x
topology: tpu7x:2x2x1
jax: 0.10.2.dev20260603
libtpu: 0.0.44.dev20260713+nightly
codegen_flags: <defaults>
</compile_context>

<pallas_src>
import functools

import jax
import jax.numpy as jnp
import numpy as np
from jax import lax
from jax.experimental import pallas as pl
from jax.experimental.pallas import tpu as pltpu
from jax.experimental.pallas import tpu_sc as plsc

_N_CLASSES = 1000
_LB_SMOOTH = 0.1
_OFF_VAL = float(np.float32(_LB_SMOOTH / _N_CLASSES))
_ON_VAL = float(np.float32(1.0 - _LB_SMOOTH))
_LANES = 16


@functools.cache
def _build(n: int):
    info = plsc.get_sparse_core_info()
    nc, ns = info.num_cores, info.num_subcores
    nw = nc * ns
    c = _N_CLASSES
    assert n % nw == 0
    cols = n // nw
    n_vecs = cols // _LANES
    cr = 40
    assert c % cr == 0 and cr % 8 == 0 and cols % _LANES == 0
    n_chunks = c // cr

    mesh = plsc.VectorSubcoreMesh(core_axis_name="c", subcore_axis_name="s")

    @functools.partial(
        pl.kernel,
        out_type=jax.ShapeDtypeStruct((c, n), jnp.float32),
        mesh=mesh,
        compiler_params=pltpu.CompilerParams(needs_layout_passes=False),
        scratch_types=[
            pltpu.VMEM((cols,), jnp.int32),
            pltpu.VMEM((cr, cols), jnp.float32),
            pltpu.VMEM((cr, cols), jnp.float32),
            pltpu.SemaphoreType.DMA,
            pltpu.SemaphoreType.DMA,
        ],
    )
    def onehot_t(label_hbm, out_hbm, labels_v, buf0, buf1, sem0, sem1):
        wid = lax.axis_index("s") * nc + lax.axis_index("c")
        base_i = wid * cols
        label_cp = pltpu.make_async_copy(
            label_hbm.at[pl.ds(base_i, cols)], labels_v, sem0
        )
        label_cp.start()

        off_splat = jnp.full((_LANES,), _OFF_VAL, jnp.float32)
        on_splat = jnp.full((_LANES,), _ON_VAL, jnp.float32)
        bufs = (buf0, buf1)
        sems = (sem0, sem1)

        def fill(buf):
            def body(row, carry):
                for v in range(n_vecs):
                    buf[row, pl.ds(v * _LANES, _LANES)] = off_splat
                return carry
            lax.fori_loop(0, cr, body, 0)

        fill(buf0)
        label_cp.wait()

        lanes = lax.iota(jnp.int32, _LANES)
        cr_u = jnp.uint32(cr)

        def scan_set(buf, c0):
            def body(j, carry):
                lbl = labels_v[pl.ds(j * _LANES, _LANES)]
                i_loc = lanes + j * _LANES
                dcur = lbl - c0
                mcur = plsc.bitcast(dcur, jnp.uint32) < cr_u
                plsc.store_scatter(buf, [dcur, i_loc], on_splat, mask=mcur)
                return carry
            lax.fori_loop(0, n_vecs, body, 0)

        def scan_reset_set(buf, pc0, c0):
            def body(j, carry):
                lbl = labels_v[pl.ds(j * _LANES, _LANES)]
                i_loc = lanes + j * _LANES
                dprev = lbl - pc0
                mprev = plsc.bitcast(dprev, jnp.uint32) < cr_u
                plsc.store_scatter(buf, [dprev, i_loc], off_splat, mask=mprev)
                dcur = lbl - c0
                mcur = plsc.bitcast(dcur, jnp.uint32) < cr_u
                plsc.store_scatter(buf, [dcur, i_loc], on_splat, mask=mcur)
                return carry
            lax.fori_loop(0, n_vecs, body, 0)

        def dma(buf, sem, c0):
            return pltpu.make_async_copy(
                buf, out_hbm.at[pl.ds(c0, cr), pl.ds(base_i, cols)], sem
            )

        scan_set(buf0, 0)
        dma(buf0, sem0, 0).start()
        fill(buf1)
        scan_set(buf1, cr)
        dma(buf1, sem1, cr).start()

        n_pairs = (n_chunks - 2) // 2

        def pair_body(i, carry):
            ck = 2 + 2 * i
            for par in range(2):
                c0 = (ck + par) * cr
                dma(bufs[par], sems[par], c0 - 2 * cr).wait()
                scan_reset_set(bufs[par], c0 - 2 * cr, c0)
                dma(bufs[par], sems[par], c0).start()
            return carry
        lax.fori_loop(0, n_pairs, pair_body, 0)

        done = 2 + 2 * n_pairs
        for ck in range(done, n_chunks):
            b = ck % 2
            c0 = ck * cr
            dma(bufs[b], sems[b], c0 - 2 * cr).wait()
            scan_reset_set(bufs[b], c0 - 2 * cr, c0)
            dma(bufs[b], sems[b], c0).start()

        dma(bufs[(n_chunks - 2) % 2], sems[(n_chunks - 2) % 2],
            (n_chunks - 2) * cr).wait()
        dma(bufs[(n_chunks - 1) % 2], sems[(n_chunks - 1) % 2],
            (n_chunks - 1) * cr).wait()

    return onehot_t


def kernel(label):
    n = label.shape[0]
    return _build(n)(label).T

# --- scband reference (transcript-rebuilt; emitter-appended) ---
"""Pipeline reference for scband-onehot-encoder-70875550318910 (READ-ONLY COPY).

The authoritative reference and input builder live on the scoring server;
editing this copy changes nothing except your own understanding.
"""

import jax, jax.numpy as jnp
import numpy as np

N_CLASSES = 1000
LB_SMOOTH = 0.1
IGNORE_IDX = -1


def setup_inputs(seed: int = 0) -> dict:
    key = jax.random.key(seed)
    label = jax.random.randint(key, (16384,), 0, N_CLASSES, dtype=jnp.int64 if jax.config.jax_enable_x64 else jnp.int32)
    label = label.astype(jnp.int32)
    return {"label": label}


def reference(label):
    # Faithful translation of one_hot_cpp.label_one_hot:
    #   positive entries -> 1.0 - smooth
    #   negative entries -> smooth / n_classes
    #   rows where label == ignore_idx -> all zeros
    n = label.shape[0]
    off_val = jnp.float32(LB_SMOOTH / N_CLASSES)
    on_val = jnp.float32(1.0 - LB_SMOOTH)
    ignore = (label == IGNORE_IDX)
    safe_label = jnp.where(ignore, 0, label)
    onehot = jnp.full((n, N_CLASSES), off_val, dtype=jnp.float32)
    onehot = onehot.at[jnp.arange(n), safe_label].set(on_val)
    onehot = jnp.where(ignore[:, None], jnp.float32(0.0), onehot)
    return jax.lax.stop_gradient(onehot)

if __name__ == "__main__":
    import jax
    _d = setup_inputs()
    print(jax.jit(kernel)(*tuple(_d.values())))

</pallas_src>

<mosaic_0001>
#map = affine_map<(d0, d1) -> (0)>
#map1 = affine_map<(d0, d1) -> (0, 0)>
module attributes {stable_mosaic.version = 14 : i64} {
  func.func @onehot_t(%arg0: i32, %arg1: i32, %arg2: memref<16384xi32, #tpu.memory_space<hbm>>, %arg3: memref<1000x16384xf32, #tpu.memory_space<hbm>>, %arg4: memref<512xi32, #tpu.memory_space<vmem>>, %arg5: memref<40x512xf32, #tpu.memory_space<vmem>>, %arg6: memref<40x512xf32, #tpu.memory_space<vmem>>, %arg7: memref<!tpu.dma_semaphore, #tpu.memory_space<semaphore_mem>>, %arg8: memref<!tpu.dma_semaphore, #tpu.memory_space<semaphore_mem>>) attributes {dimension_semantics = [#tpu.dimension_semantics<core_parallel>, #tpu.dimension_semantics<subcore_parallel>], iteration_bounds = array<i64: 2, 16>, scalar_prefetch = 0 : i64, scratch_operands = 5 : i64, tpu.core_type = #tpu.core_type<sc_vector_subcore>, window_params = [{transform_indices = #map}, {transform_indices = #map1}]} {
    %mul3A = arith.constant 2 : i32
    %mul3A_0 = arith.muli %arg1, %mul3A : i32
    %add3A = arith.addi %mul3A_0, %arg0 : i32
    %mul3A_1 = arith.constant 512 : i32
    %mul3A_2 = arith.muli %add3A, %mul3A_1 : i32
    %dma_start3A = tpu.memref_slice %arg2[%mul3A_2] : memref<16384xi32, #tpu.memory_space<hbm>> -> memref<512xi32, #tpu.memory_space<hbm>>
    %dma_start3A_3 = tpu.memref_slice %arg2[%mul3A_2] : memref<16384xi32, #tpu.memory_space<hbm>> -> memref<512xi32, #tpu.memory_space<hbm>>
    tpu.enqueue_dma source(%dma_start3A_3 : memref<512xi32, #tpu.memory_space<hbm>>) target(%arg4 : memref<512xi32, #tpu.memory_space<vmem>>) target_semaphore(%arg7 : memref<!tpu.dma_semaphore, #tpu.memory_space<semaphore_mem>>)
    %broadcast_in_dim3A = arith.constant 9.99999974E-5 : f32
    %broadcast_in_dim3A_4 = vector.broadcast %broadcast_in_dim3A : f32 to vector<16xf32>
    %broadcast_in_dim3A_5 = arith.constant 0.899999976 : f32
    %broadcast_in_dim3A_6 = vector.broadcast %broadcast_in_dim3A_5 : f32 to vector<16xf32>
    %scan3A = arith.constant 0 : i32
    %scan3A_7 = arith.constant 0 : i32
    %scan3A_8 = arith.constant 40 : i32
    %scan3A_9 = arith.addi %scan3A_7, %scan3A_8 : i32
    %scan3A_10 = arith.constant 1 : i32
    scf.for %scan3A_71 = %scan3A_7 to %scan3A_9 step %scan3A_10  : i32 {
      %swap3A = arith.index_cast %scan3A_71 : i32 to index
      %swap3A_72 = arith.constant 0 : index
      %swap3A_73 = tpu.vector_load %arg5[%swap3A, %swap3A_72] {strides = array<i32>} : memref<40x512xf32, #tpu.memory_space<vmem>>, vector<16xf32>,
      tpu.vector_store %arg5[%swap3A, %swap3A_72], %broadcast_in_dim3A_4 {strides = array<i32>} : memref<40x512xf32, #tpu.memory_space<vmem>>, vector<16xf32>,
      %swap3A_74 = arith.index_cast %scan3A_71 : i32 to index
      %swap3A_75 = arith.constant 16 : index
      %swap3A_76 = tpu.vector_load %arg5[%swap3A_74, %swap3A_75] {strides = array<i32>} : memref<40x512xf32, #tpu.memory_space<vmem>>, vector<16xf32>,
      tpu.vector_store %arg5[%swap3A_74, %swap3A_75], %broadcast_in_dim3A_4 {strides = array<i32>} : memref<40x512xf32, #tpu.memory_space<vmem>>, vector<16xf32>,
      %swap3A_77 = arith.index_cast %scan3A_71 : i32 to index
      %swap3A_78 = arith.constant 32 : index
      %swap3A_79 = tpu.vector_load %arg5[%swap3A_77, %swap3A_78] {strides = array<i32>} : memref<40x512xf32, #tpu.memory_space<vmem>>, vector<16xf32>,
      tpu.vector_store %arg5[%swap3A_77, %swap3A_78], %broadcast_in_dim3A_4 {strides = array<i32>} : memref<40x512xf32, #tpu.memory_space<vmem>>, vector<16xf32>,
      %swap3A_80 = arith.index_cast %scan3A_71 : i32 to index
      %swap3A_81 = arith.constant 48 : index
      %swap3A_82 = tpu.vector_load %arg5[%swap3A_80, %swap3A_81] {strides = array<i32>} : memref<40x512xf32, #tpu.memory_space<vmem>>, vector<16xf32>,
      tpu.vector_store %arg5[%swap3A_80, %swap3A_81], %broadcast_in_dim3A_4 {strides = array<i32>} : memref<40x512xf32, #tpu.memory_space<vmem>>, vector<16xf32>,
      %swap3A_83 = arith.index_cast %scan3A_71 : i32 to index
      %swap3A_84 = arith.constant 64 : index
      %swap3A_85 = tpu.vector_load %arg5[%swap3A_83, %swap3A_84] {strides = array<i32>} : memref<40x512xf32, #tpu.memory_space<vmem>>, vector<16xf32>,
      tpu.vector_store %arg5[%swap3A_83, %swap3A_84], %broadcast_in_dim3A_4 {strides = array<i32>} : memref<40x512xf32, #tpu.memory_space<vmem>>, vector<16xf32>,
      %swap3A_86 = arith.index_cast %scan3A_71 : i32 to index
      %swap3A_87 = arith.constant 80 : index
      %swap3A_88 = tpu.vector_load %arg5[%swap3A_86, %swap3A_87] {strides = array<i32>} : memref<40x512xf32, #tpu.memory_space<vmem>>, vector<16xf32>,
      tpu.vector_store %arg5[%swap3A_86, %swap3A_87], %broadcast_in_dim3A_4 {strides = array<i32>} : memref<40x512xf32, #tpu.memory_space<vmem>>, vector<16xf32>,
      %swap3A_89 = arith.index_cast %scan3A_71 : i32 to index
      %swap3A_90 = arith.constant 96 : index
      %swap3A_91 = tpu.vector_load %arg5[%swap3A_89, %swap3A_90] {strides = array<i32>} : memref<40x512xf32, #tpu.memory_space<vmem>>, vector<16xf32>,
      tpu.vector_store %arg5[%swap3A_89, %swap3A_90], %broadcast_in_dim3A_4 {strides = array<i32>} : memref<40x512xf32, #tpu.memory_space<vmem>>, vector<16xf32>,
      %swap3A_92 = arith.index_cast %scan3A_71 : i32 to index
      %swap3A_93 = arith.constant 112 : index
      %swap3A_94 = tpu.vector_load %arg5[%swap3A_92, %swap3A_93] {strides = array<i32>} : memref<40x512xf32, #tpu.memory_space<vmem>>, vector<16xf32>,
      tpu.vector_store %arg5[%swap3A_92, %swap3A_93], %broadcast_in_dim3A_4 {strides = array<i32>} : memref<40x512xf32, #tpu.memory_space<vmem>>, vector<16xf32>,
      %swap3A_95 = arith.index_cast %scan3A_71 : i32 to index
      %swap3A_96 = arith.constant 128 : index
      %swap3A_97 = tpu.vector_load %arg5[%swap3A_95, %swap3A_96] {strides = array<i32>} : memref<40x512xf32, #tpu.memory_space<vmem>>, vector<16xf32>,
      tpu.vector_store %arg5[%swap3A_95, %swap3A_96], %broadcast_in_dim3A_4 {strides = array<i32>} : memref<40x512xf32, #tpu.memory_space<vmem>>, vector<16xf32>,
      %swap3A_98 = arith.index_cast %scan3A_71 : i32 to index
      %swap3A_99 = arith.constant 144 : index
      %swap3A_100 = tpu.vector_load %arg5[%swap3A_98, %swap3A_99] {strides = array<i32>} : memref<40x512xf32, #tpu.memory_space<vmem>>, vector<16xf32>,
      tpu.vector_store %arg5[%swap3A_98, %swap3A_99], %broadcast_in_dim3A_4 {strides = array<i32>} : memref<40x512xf32, #tpu.memory_space<vmem>>, vector<16xf32>,
      %swap3A_101 = arith.index_cast %scan3A_71 : i32 to index
      %swap3A_102 = arith.constant 160 : index
      %swap3A_103 = tpu.vector_load %arg5[%swap3A_101, %swap3A_102] {strides = array<i32>} : memref<40x512xf32, #tpu.memory_space<vmem>>, vector<16xf32>,
      tpu.vector_store %arg5[%swap3A_101, %swap3A_102], %broadcast_in_dim3A_4 {strides = array<i32>} : memref<40x512xf32, #tpu.memory_space<vmem>>, vector<16xf32>,
      %swap3A_104 = arith.index_cast %scan3A_71 : i32 to index
      %swap3A_105 = arith.constant 176 : index
      %swap3A_106 = tpu.vector_load %arg5[%swap3A_104, %swap3A_105] {strides = array<i32>} : memref<40x512xf32, #tpu.memory_space<vmem>>, vector<16xf32>,
      tpu.vector_store %arg5[%swap3A_104, %swap3A_105], %broadcast_in_dim3A_4 {strides = array<i32>} : memref<40x512xf32, #tpu.memory_space<vmem>>, vector<16xf32>,
      %swap3A_107 = arith.index_cast %scan3A_71 : i32 to index
      %swap3A_108 = arith.constant 192 : index
      %swap3A_109 = tpu.vector_load %arg5[%swap3A_107, %swap3A_108] {strides = array<i32>} : memref<40x512xf32, #tpu.memory_space<vmem>>, vector<16xf32>,
      tpu.vector_store %arg5[%swap3A_107, %swap3A_108], %broadcast_in_dim3A_4 {strides = array<i32>} : memref<40x512xf32, #tpu.memory_space<vmem>>, vector<16xf32>,
      %swap3A_110 = arith.index_cast %scan3A_71 : i32 to index
      %swap3A_111 = arith.constant 208 : index
      %swap3A_112 = tpu.vector_load %arg5[%swap3A_110, %swap3A_111] {strides = array<i32>} : memref<40x512xf32, #tpu.memory_space<vmem>>, vector<16xf32>,
      tpu.vector_store %arg5[%swap3A_110, %swap3A_111], %broadcast_in_dim3A_4 {strides = array<i32>} : memref<40x512xf32, #tpu.memory_space<vmem>>, vector<16xf32>,
      %swap3A_113 = arith.index_cast %scan3A_71 : i32 to index
      %swap3A_114 = arith.constant 224 : index
      %swap3A_115 = tpu.vector_load %arg5[%swap3A_113, %swap3A_114] {strides = array<i32>} : memref<40x512xf32, #tpu.memory_space<vmem>>, vector<16xf32>,
      tpu.vector_store %arg5[%swap3A_113, %swap3A_114], %broadcast_in_dim3A_4 {strides = array<i32>} : memref<40x512xf32, #tpu.memory_space<vmem>>, vector<16xf32>,
      %swap3A_116 = arith.index_cast %scan3A_71 : i32 to index
      %swap3A_117 = arith.constant 240 : index
      %swap3A_118 = tpu.vector_load %arg5[%swap3A_116, %swap3A_117] {strides = array<i32>} : memref<40x512xf32, #tpu.memory_space<vmem>>, vector<16xf32>,
      tpu.vector_store %arg5[%swap3A_116, %swap3A_117], %broadcast_in_dim3A_4 {strides = array<i32>} : memref<40x512xf32, #tpu.memory_space<vmem>>, vector<16xf32>,
      %swap3A_119 = arith.index_cast %scan3A_71 : i32 to index
      %swap3A_120 = arith.constant 256 : index
      %swap3A_121 = tpu.vector_load %arg5[%swap3A_119, %swap3A_120] {strides = array<i32>} : memref<40x512xf32, #tpu.memory_space<vmem>>, vector<16xf32>,
      tpu.vector_store %arg5[%swap3A_119, %swap3A_120], %broadcast_in_dim3A_4 {strides = array<i32>} : memref<40x512xf32, #tpu.memory_space<vmem>>, vector<16xf32>,
      %swap3A_122 = arith.index_cast %scan3A_71 : i32 to index
      %swap3A_123 = arith.constant 272 : index
      %swap3A_124 = tpu.vector_load %arg5[%swap3A_122, %swap3A_123] {strides = array<i32>} : memref<40x512xf32, #tpu.memory_space<vmem>>, vector<16xf32>,
      tpu.vector_store %arg5[%swap3A_122, %swap3A_123], %broadcast_in_dim3A_4 {strides = array<i32>} : memref<40x512xf32, #tpu.memory_space<vmem>>, vector<16xf32>,
      %swap3A_125 = arith.index_cast %scan3A_71 : i32 to index
      %swap3A_126 = arith.constant 288 : index
      %swap3A_127 = tpu.vector_load %arg5[%swap3A_125, %swap3A_126] {strides = array<i32>} : memref<40x512xf32, #tpu.memory_space<vmem>>, vector<16xf32>,
      tpu.vector_store %arg5[%swap3A_125, %swap3A_126], %broadcast_in_dim3A_4 {strides = array<i32>} : memref<40x512xf32, #tpu.memory_space<vmem>>, vector<16xf32>,
      %swap3A_128 = arith.index_cast %scan3A_71 : i32 to index
      %swap3A_129 = arith.constant 304 : index
      %swap3A_130 = tpu.vector_load %arg5[%swap3A_128, %swap3A_129] {strides = array<i32>} : memref<40x512xf32, #tpu.memory_space<vmem>>, vector<16xf32>,
      tpu.vector_store %arg5[%swap3A_128, %swap3A_129], %broadcast_in_dim3A_4 {strides = array<i32>} : memref<40x512xf32, #tpu.memory_space<vmem>>, vector<16xf32>,
      %swap3A_131 = arith.index_cast %scan3A_71 : i32 to index
      %swap3A_132 = arith.constant 320 : index
      %swap3A_133 = tpu.vector_load %arg5[%swap3A_131, %swap3A_132] {strides = array<i32>} : memref<40x512xf32, #tpu.memory_space<vmem>>, vector<16xf32>,
      tpu.vector_store %arg5[%swap3A_131, %swap3A_132], %broadcast_in_dim3A_4 {strides = array<i32>} : memref<40x512xf32, #tpu.memory_space<vmem>>, vector<16xf32>,
      %swap3A_134 = arith.index_cast %scan3A_71 : i32 to index
      %swap3A_135 = arith.constant 336 : index
      %swap3A_136 = tpu.vector_load %arg5[%swap3A_134, %swap3A_135] {strides = array<i32>} : memref<40x512xf32, #tpu.memory_space<vmem>>, vector<16xf32>,
      tpu.vector_store %arg5[%swap3A_134, %swap3A_135], %broadcast_in_dim3A_4 {strides = array<i32>} : memref<40x512xf32, #tpu.memory_space<vmem>>, vector<16xf32>,
      %swap3A_137 = arith.index_cast %scan3A_71 : i32 to index
      %swap3A_138 = arith.constant 352 : index
      %swap3A_139 = tpu.vector_load %arg5[%swap3A_137, %swap3A_138] {strides = array<i32>} : memref<40x512xf32, #tpu.memory_space<vmem>>, vector<16xf32>,
      tpu.vector_store %arg5[%swap3A_137, %swap3A_138], %broadcast_in_dim3A_4 {strides = array<i32>} : memref<40x512xf32, #tpu.memory_space<vmem>>, vector<16xf32>,
      %swap3A_140 = arith.index_cast %scan3A_71 : i32 to index
      %swap3A_141 = arith.constant 368 : index
      %swap3A_142 = tpu.vector_load %arg5[%swap3A_140, %swap3A_141] {strides = array<i32>} : memref<40x512xf32, #tpu.memory_space<vmem>>, vector<16xf32>,
      tpu.vector_store %arg5[%swap3A_140, %swap3A_141], %broadcast_in_dim3A_4 {strides = array<i32>} : memref<40x512xf32, #tpu.memory_space<vmem>>, vector<16xf32>,
      %swap3A_143 = arith.index_cast %scan3A_71 : i32 to index
      %swap3A_144 = arith.constant 384 : index
      %swap3A_145 = tpu.vector_load %arg5[%swap3A_143, %swap3A_144] {strides = array<i32>} : memref<40x512xf32, #tpu.memory_space<vmem>>, vector<16xf32>,
      tpu.vector_store %arg5[%swap3A_143, %swap3A_144], %broadcast_in_dim3A_4 {strides = array<i32>} : memref<40x512xf32, #tpu.memory_space<vmem>>, vector<16xf32>,
      %swap3A_146 = arith.index_cast %scan3A_71 : i32 to index
      %swap3A_147 = arith.constant 400 : index
      %swap3A_148 = tpu.vector_load %arg5[%swap3A_146, %swap3A_147] {strides = array<i32>} : memref<40x512xf32, #tpu.memory_space<vmem>>, vector<16xf32>,
      tpu.vector_store %arg5[%swap3A_146, %swap3A_147], %broadcast_in_dim3A_4 {strides = array<i32>} : memref<40x512xf32, #tpu.memory_space<vmem>>, vector<16xf32>,
      %swap3A_149 = arith.index_cast %scan3A_71 : i32 to index
      %swap3A_150 = arith.constant 416 : index
      %swap3A_151 = tpu.vector_load %arg5[%swap3A_149, %swap3A_150] {strides = array<i32>} : memref<40x512xf32, #tpu.memory_space<vmem>>, vector<16xf32>,
      tpu.vector_store %arg5[%swap3A_149, %swap3A_150], %broadcast_in_dim3A_4 {strides = array<i32>} : memref<40x512xf32, #tpu.memory_space<vmem>>, vector<16xf32>,
      %swap3A_152 = arith.index_cast %scan3A_71 : i32 to index
      %swap3A_153 = arith.constant 432 : index
      %swap3A_154 = tpu.vector_load %arg5[%swap3A_152, %swap3A_153] {strides = array<i32>} : memref<40x512xf32, #tpu.memory_space<vmem>>, vector<16xf32>,
      tpu.vector_store %arg5[%swap3A_152, %swap3A_153], %broadcast_in_dim3A_4 {strides = array<i32>} : memref<40x512xf32, #tpu.memory_space<vmem>>, vector<16xf32>,
      %swap3A_155 = arith.index_cast %scan3A_71 : i32 to index
      %swap3A_156 = arith.constant 448 : index
      %swap3A_157 = tpu.vector_load %arg5[%swap3A_155, %swap3A_156] {strides = array<i32>} : memref<40x512xf32, #tpu.memory_space<vmem>>, vector<16xf32>,
      tpu.vector_store %arg5[%swap3A_155, %swap3A_156], %broadcast_in_dim3A_4 {strides = array<i32>} : memref<40x512xf32, #tpu.memory_space<vmem>>, vector<16xf32>,
      %swap3A_158 = arith.index_cast %scan3A_71 : i32 to index
      %swap3A_159 = arith.constant 464 : index
      %swap3A_160 = tpu.vector_load %arg5[%swap3A_158, %swap3A_159] {strides = array<i32>} : memref<40x512xf32, #tpu.memory_space<vmem>>, vector<16xf32>,
      tpu.vector_store %arg5[%swap3A_158, %swap3A_159], %broadcast_in_dim3A_4 {strides = array<i32>} : memref<40x512xf32, #tpu.memory_space<vmem>>, vector<16xf32>,
      %swap3A_161 = arith.index_cast %scan3A_71 : i32 to index
      %swap3A_162 = arith.constant 480 : index
      %swap3A_163 = tpu.vector_load %arg5[%swap3A_161, %swap3A_162] {strides = array<i32>} : memref<40x512xf32, #tpu.memory_space<vmem>>, vector<16xf32>,
      tpu.vector_store %arg5[%swap3A_161, %swap3A_162], %broadcast_in_dim3A_4 {strides = array<i32>} : memref<40x512xf32, #tpu.memory_space<vmem>>, vector<16xf32>,
      %swap3A_164 = arith.index_cast %scan3A_71 : i32 to index
      %swap3A_165 = arith.constant 496 : index
      %swap3A_166 = tpu.vector_load %arg5[%swap3A_164, %swap3A_165] {strides = array<i32>} : memref<40x512xf32, #tpu.memory_space<vmem>>, vector<16xf32>,
      tpu.vector_store %arg5[%swap3A_164, %swap3A_165], %broadcast_in_dim3A_4 {strides = array<i32>} : memref<40x512xf32, #tpu.memory_space<vmem>>, vector<16xf32>,
    }
    %scan3A_11 = arith.constant 40 : i32
    %dma_wait3A = tpu.memref_slice %arg2[%mul3A_2] : memref<16384xi32, #tpu.memory_space<hbm>> -> memref<512xi32, #tpu.memory_space<hbm>>
    %dma_wait3A_12 = tpu.memref_slice %arg2[%mul3A_2] : memref<16384xi32, #tpu.memory_space<hbm>> -> memref<512xi32, #tpu.memory_space<hbm>>
    tpu.wait_dma2 semaphore(%arg7 : memref<!tpu.dma_semaphore, #tpu.memory_space<semaphore_mem>>) src(%dma_wait3A_12 : memref<512xi32, #tpu.memory_space<hbm>>) dst(%arg4 : memref<512xi32, #tpu.memory_space<vmem>>)
    %iota3A = tpu.iota {dimensions = array<i32: 0>} : vector<16xi32>
    %scan3A_13 = arith.constant 0 : i32
    %scan3A_14 = arith.constant 40 : i32
    %scan3A_15 = arith.constant 0 : i32
    %scan3A_16 = arith.constant 32 : i32
    %scan3A_17 = arith.addi %scan3A_15, %scan3A_16 : i32
    %scan3A_18 = arith.constant 1 : i32
    scf.for %scan3A_71 = %scan3A_15 to %scan3A_17 step %scan3A_18  : i32 {
      %mul3A_72 = arith.constant 16 : i32
      %mul3A_73 = arith.muli %scan3A_71, %mul3A_72 : i32
      %get3A = arith.index_cast %mul3A_73 : i32 to index
      %get3A_74 = tpu.vector_load %arg4[%get3A] {strides = array<i32>} : memref<512xi32, #tpu.memory_space<vmem>>, vector<16xi32>,
      %mul3A_75 = arith.constant 16 : i32
      %mul3A_76 = arith.muli %scan3A_71, %mul3A_75 : i32
      %add3A_77 = vector.broadcast %mul3A_76 : i32 to vector<16xi32>
      %add3A_78 = arith.addi %iota3A, %add3A_77 : vector<16xi32>
      %sub3A = arith.constant 0 : i32
      %sub3A_79 = vector.broadcast %sub3A : i32 to vector<16xi32>
      %sub3A_80 = arith.subi %get3A_74, %sub3A_79 : vector<16xi32>
      %bitcast3A = vector.bitcast %sub3A_80 : vector<16xi32> to vector<16xi32>
      %lt3A = vector.broadcast %scan3A_14 : i32 to vector<16xi32>
      %lt3A_81 = arith.cmpi ult, %bitcast3A, %lt3A : vector<16xi32>
      tpu.vector_store_idx %arg5[%sub3A_80, %add3A_78], %broadcast_in_dim3A_6 masked %lt3A_81 : memref<40x512xf32, #tpu.memory_space<vmem>>[vector<16xi32>, vector<16xi32>], vector<16xf32>, vector<16xi1>
    }
    %scan3A_19 = arith.constant 32 : i32
    %dma_start3A_20 = arith.constant 0 : i32
    %dma_start3A_21 = tpu.memref_slice %arg3[%dma_start3A_20, %mul3A_2] : memref<1000x16384xf32, #tpu.memory_space<hbm>> -> memref<40x512xf32, #tpu.memory_space<hbm>>
    %dma_start3A_22 = arith.constant 0 : i32
    %dma_start3A_23 = tpu.memref_slice %arg3[%dma_start3A_22, %mul3A_2] : memref<1000x16384xf32, #tpu.memory_space<hbm>> -> memref<40x512xf32, #tpu.memory_space<hbm>>
    tpu.enqueue_dma source(%arg5 : memref<40x512xf32, #tpu.memory_space<vmem>>) target(%dma_start3A_23 : memref<40x512xf32, #tpu.memory_space<hbm>>) target_semaphore(%arg7 : memref<!tpu.dma_semaphore, #tpu.memory_space<semaphore_mem>>)
    %scan3A_24 = arith.constant 0 : i32
    %scan3A_25 = arith.constant 0 : i32
    %scan3A_26 = arith.constant 40 : i32
    %scan3A_27 = arith.addi %scan3A_25, %scan3A_26 : i32
    %scan3A_28 = arith.constant 1 : i32
    scf.for %scan3A_71 = %scan3A_25 to %scan3A_27 step %scan3A_28  : i32 {
      %swap3A = arith.index_cast %scan3A_71 : i32 to index
      %swap3A_72 = arith.constant 0 : index
      %swap3A_73 = tpu.vector_load %arg6[%swap3A, %swap3A_72] {strides = array<i32>} : memref<40x512xf32, #tpu.memory_space<vmem>>, vector<16xf32>,
      tpu.vector_store %arg6[%swap3A, %swap3A_72], %broadcast_in_dim3A_4 {strides = array<i32>} : memref<40x512xf32, #tpu.memory_space<vmem>>, vector<16xf32>,
      %swap3A_74 = arith.index_cast %scan3A_71 : i32 to index
      %swap3A_75 = arith.constant 16 : index
      %swap3A_76 = tpu.vector_load %arg6[%swap3A_74, %swap3A_75] {strides = array<i32>} : memref<40x512xf32, #tpu.memory_space<vmem>>, vector<16xf32>,
      tpu.vector_store %arg6[%swap3A_74, %swap3A_75], %broadcast_in_dim3A_4 {strides = array<i32>} : memref<40x512xf32, #tpu.memory_space<vmem>>, vector<16xf32>,
      %swap3A_77 = arith.index_cast %scan3A_71 : i32 to index
      %swap3A_78 = arith.constant 32 : index
      %swap3A_79 = tpu.vector_load %arg6[%swap3A_77, %swap3A_78] {strides = array<i32>} : memref<40x512xf32, #tpu.memory_space<vmem>>, vector<16xf32>,
      tpu.vector_store %arg6[%swap3A_77, %swap3A_78], %broadcast_in_dim3A_4 {strides = array<i32>} : memref<40x512xf32, #tpu.memory_space<vmem>>, vector<16xf32>,
      %swap3A_80 = arith.index_cast %scan3A_71 : i32 to index
      %swap3A_81 = arith.constant 48 : index
      %swap3A_82 = tpu.vector_load %arg6[%swap3A_80, %swap3A_81] {strides = array<i32>} : memref<40x512xf32, #tpu.memory_space<vmem>>, vector<16xf32>,
      tpu.vector_store %arg6[%swap3A_80, %swap3A_81], %broadcast_in_dim3A_4 {strides = array<i32>} : memref<40x512xf32, #tpu.memory_space<vmem>>, vector<16xf32>,
      %swap3A_83 = arith.index_cast %scan3A_71 : i32 to index
      %swap3A_84 = arith.constant 64 : index
      %swap3A_85 = tpu.vector_load %arg6[%swap3A_83, %swap3A_84] {strides = array<i32>} : memref<40x512xf32, #tpu.memory_space<vmem>>, vector<16xf32>,
      tpu.vector_store %arg6[%swap3A_83, %swap3A_84], %broadcast_in_dim3A_4 {strides = array<i32>} : memref<40x512xf32, #tpu.memory_space<vmem>>, vector<16xf32>,
      %swap3A_86 = arith.index_cast %scan3A_71 : i32 to index
      %swap3A_87 = arith.constant 80 : index
      %swap3A_88 = tpu.vector_load %arg6[%swap3A_86, %swap3A_87] {strides = array<i32>} : memref<40x512xf32, #tpu.memory_space<vmem>>, vector<16xf32>,
      tpu.vector_store %arg6[%swap3A_86, %swap3A_87], %broadcast_in_dim3A_4 {strides = array<i32>} : memref<40x512xf32, #tpu.memory_space<vmem>>, vector<16xf32>,
      %swap3A_89 = arith.index_cast %scan3A_71 : i32 to index
      %swap3A_90 = arith.constant 96 : index
      %swap3A_91 = tpu.vector_load %arg6[%swap3A_89, %swap3A_90] {strides = array<i32>} : memref<40x512xf32, #tpu.memory_space<vmem>>, vector<16xf32>,
      tpu.vector_store %arg6[%swap3A_89, %swap3A_90], %broadcast_in_dim3A_4 {strides = array<i32>} : memref<40x512xf32, #tpu.memory_space<vmem>>, vector<16xf32>,
      %swap3A_92 = arith.index_cast %scan3A_71 : i32 to index
      %swap3A_93 = arith.constant 112 : index
      %swap3A_94 = tpu.vector_load %arg6[%swap3A_92, %swap3A_93] {strides = array<i32>} : memref<40x512xf32, #tpu.memory_space<vmem>>, vector<16xf32>,
      tpu.vector_store %arg6[%swap3A_92, %swap3A_93], %broadcast_in_dim3A_4 {strides = array<i32>} : memref<40x512xf32, #tpu.memory_space<vmem>>, vector<16xf32>,
      %swap3A_95 = arith.index_cast %scan3A_71 : i32 to index
      %swap3A_96 = arith.constant 128 : index
      %swap3A_97 = tpu.vector_load %arg6[%swap3A_95, %swap3A_96] {strides = array<i32>} : memref<40x512xf32, #tpu.memory_space<vmem>>, vector<16xf32>,
      tpu.vector_store %arg6[%swap3A_95, %swap3A_96], %broadcast_in_dim3A_4 {strides = array<i32>} : memref<40x512xf32, #tpu.memory_space<vmem>>, vector<16xf32>,
      %swap3A_98 = arith.index_cast %scan3A_71 : i32 to index
      %swap3A_99 = arith.constant 144 : index
      %swap3A_100 = tpu.vector_load %arg6[%swap3A_98, %swap3A_99] {strides = array<i32>} : memref<40x512xf32, #tpu.memory_space<vmem>>, vector<16xf32>,
      tpu.vector_store %arg6[%swap3A_98, %swap3A_99], %broadcast_in_dim3A_4 {strides = array<i32>} : memref<40x512xf32, #tpu.memory_space<vmem>>, vector<16xf32>,
      %swap3A_101 = arith.index_cast %scan3A_71 : i32 to index
      %swap3A_102 = arith.constant 160 : index
      %swap3A_103 = tpu.vector_load %arg6[%swap3A_101, %swap3A_102] {strides = array<i32>} : memref<40x512xf32, #tpu.memory_space<vmem>>, vector<16xf32>,
      tpu.vector_store %arg6[%swap3A_101, %swap3A_102], %broadcast_in_dim3A_4 {strides = array<i32>} : memref<40x512xf32, #tpu.memory_space<vmem>>, vector<16xf32>,
      %swap3A_104 = arith.index_cast %scan3A_71 : i32 to index
      %swap3A_105 = arith.constant 176 : index
      %swap3A_106 = tpu.vector_load %arg6[%swap3A_104, %swap3A_105] {strides = array<i32>} : memref<40x512xf32, #tpu.memory_space<vmem>>, vector<16xf32>,
      tpu.vector_store %arg6[%swap3A_104, %swap3A_105], %broadcast_in_dim3A_4 {strides = array<i32>} : memref<40x512xf32, #tpu.memory_space<vmem>>, vector<16xf32>,
      %swap3A_107 = arith.index_cast %scan3A_71 : i32 to index
      %swap3A_108 = arith.constant 192 : index
      %swap3A_109 = tpu.vector_load %arg6[%swap3A_107, %swap3A_108] {strides = array<i32>} : memref<40x512xf32, #tpu.memory_space<vmem>>, vector<16xf32>,
      tpu.vector_store %arg6[%swap3A_107, %swap3A_108], %broadcast_in_dim3A_4 {strides = array<i32>} : memref<40x512xf32, #tpu.memory_space<vmem>>, vector<16xf32>,
      %swap3A_110 = arith.index_cast %scan3A_71 : i32 to index
      %swap3A_111 = arith.constant 208 : index
      %swap3A_112 = tpu.vector_load %arg6[%swap3A_110, %swap3A_111] {strides = array<i32>} : memref<40x512xf32, #tpu.memory_space<vmem>>, vector<16xf32>,
      tpu.vector_store %arg6[%swap3A_110, %swap3A_111], %broadcast_in_dim3A_4 {strides = array<i32>} : memref<40x512xf32, #tpu.memory_space<vmem>>, vector<16xf32>,
      %swap3A_113 = arith.index_cast %scan3A_71 : i32 to index
      %swap3A_114 = arith.constant 224 : index
      %swap3A_115 = tpu.vector_load %arg6[%swap3A_113, %swap3A_114] {strides = array<i32>} : memref<40x512xf32, #tpu.memory_space<vmem>>, vector<16xf32>,
      tpu.vector_store %arg6[%swap3A_113, %swap3A_114], %broadcast_in_dim3A_4 {strides = array<i32>} : memref<40x512xf32, #tpu.memory_space<vmem>>, vector<16xf32>,
      %swap3A_116 = arith.index_cast %scan3A_71 : i32 to index
      %swap3A_117 = arith.constant 240 : index
      %swap3A_118 = tpu.vector_load %arg6[%swap3A_116, %swap3A_117] {strides = array<i32>} : memref<40x512xf32, #tpu.memory_space<vmem>>, vector<16xf32>,
      tpu.vector_store %arg6[%swap3A_116, %swap3A_117], %broadcast_in_dim3A_4 {strides = array<i32>} : memref<40x512xf32, #tpu.memory_space<vmem>>, vector<16xf32>,
      %swap3A_119 = arith.index_cast %scan3A_71 : i32 to index
      %swap3A_120 = arith.constant 256 : index
      %swap3A_121 = tpu.vector_load %arg6[%swap3A_119, %swap3A_120] {strides = array<i32>} : memref<40x512xf32, #tpu.memory_space<vmem>>, vector<16xf32>,
      tpu.vector_store %arg6[%swap3A_119, %swap3A_120], %broadcast_in_dim3A_4 {strides = array<i32>} : memref<40x512xf32, #tpu.memory_space<vmem>>, vector<16xf32>,
      %swap3A_122 = arith.index_cast %scan3A_71 : i32 to index
      %swap3A_123 = arith.constant 272 : index
      %swap3A_124 = tpu.vector_load %arg6[%swap3A_122, %swap3A_123] {strides = array<i32>} : memref<40x512xf32, #tpu.memory_space<vmem>>, vector<16xf32>,
      tpu.vector_store %arg6[%swap3A_122, %swap3A_123], %broadcast_in_dim3A_4 {strides = array<i32>} : memref<40x512xf32, #tpu.memory_space<vmem>>, vector<16xf32>,
      %swap3A_125 = arith.index_cast %scan3A_71 : i32 to index
      %swap3A_126 = arith.constant 288 : index
      %swap3A_127 = tpu.vector_load %arg6[%swap3A_125, %swap3A_126] {strides = array<i32>} : memref<40x512xf32, #tpu.memory_space<vmem>>, vector<16xf32>,
      tpu.vector_store %arg6[%swap3A_125, %swap3A_126], %broadcast_in_dim3A_4 {strides = array<i32>} : memref<40x512xf32, #tpu.memory_space<vmem>>, vector<16xf32>,
      %swap3A_128 = arith.index_cast %scan3A_71 : i32 to index
      %swap3A_129 = arith.constant 304 : index
      %swap3A_130 = tpu.vector_load %arg6[%swap3A_128, %swap3A_129] {strides = array<i32>} : memref<40x512xf32, #tpu.memory_space<vmem>>, vector<16xf32>,
      tpu.vector_store %arg6[%swap3A_128, %swap3A_129], %broadcast_in_dim3A_4 {strides = array<i32>} : memref<40x512xf32, #tpu.memory_space<vmem>>, vector<16xf32>,
      %swap3A_131 = arith.index_cast %scan3A_71 : i32 to index
      %swap3A_132 = arith.constant 320 : index
      %swap3A_133 = tpu.vector_load %arg6[%swap3A_131, %swap3A_132] {strides = array<i32>} : memref<40x512xf32, #tpu.memory_space<vmem>>, vector<16xf32>,
      tpu.vector_store %arg6[%swap3A_131, %swap3A_132], %broadcast_in_dim3A_4 {strides = array<i32>} : memref<40x512xf32, #tpu.memory_space<vmem>>, vector<16xf32>,
      %swap3A_134 = arith.index_cast %scan3A_71 : i32 to index
      %swap3A_135 = arith.constant 336 : index
      %swap3A_136 = tpu.vector_load %arg6[%swap3A_134, %swap3A_135] {strides = array<i32>} : memref<40x512xf32, #tpu.memory_space<vmem>>, vector<16xf32>,
      tpu.vector_store %arg6[%swap3A_134, %swap3A_135], %broadcast_in_dim3A_4 {strides = array<i32>} : memref<40x512xf32, #tpu.memory_space<vmem>>, vector<16xf32>,
      %swap3A_137 = arith.index_cast %scan3A_71 : i32 to index
      %swap3A_138 = arith.constant 352 : index
      %swap3A_139 = tpu.vector_load %arg6[%swap3A_137, %swap3A_138] {strides = array<i32>} : memref<40x512xf32, #tpu.memory_space<vmem>>, vector<16xf32>,
      tpu.vector_store %arg6[%swap3A_137, %swap3A_138], %broadcast_in_dim3A_4 {strides = array<i32>} : memref<40x512xf32, #tpu.memory_space<vmem>>, vector<16xf32>,
      %swap3A_140 = arith.index_cast %scan3A_71 : i32 to index
      %swap3A_141 = arith.constant 368 : index
      %swap3A_142 = tpu.vector_load %arg6[%swap3A_140, %swap3A_141] {strides = array<i32>} : memref<40x512xf32, #tpu.memory_space<vmem>>, vector<16xf32>,
      tpu.vector_store %arg6[%swap3A_140, %swap3A_141], %broadcast_in_dim3A_4 {strides = array<i32>} : memref<40x512xf32, #tpu.memory_space<vmem>>, vector<16xf32>,
      %swap3A_143 = arith.index_cast %scan3A_71 : i32 to index
      %swap3A_144 = arith.constant 384 : index
      %swap3A_145 = tpu.vector_load %arg6[%swap3A_143, %swap3A_144] {strides = array<i32>} : memref<40x512xf32, #tpu.memory_space<vmem>>, vector<16xf32>,
      tpu.vector_store %arg6[%swap3A_143, %swap3A_144], %broadcast_in_dim3A_4 {strides = array<i32>} : memref<40x512xf32, #tpu.memory_space<vmem>>, vector<16xf32>,
      %swap3A_146 = arith.index_cast %scan3A_71 : i32 to index
      %swap3A_147 = arith.constant 400 : index
      %swap3A_148 = tpu.vector_load %arg6[%swap3A_146, %swap3A_147] {strides = array<i32>} : memref<40x512xf32, #tpu.memory_space<vmem>>, vector<16xf32>,
      tpu.vector_store %arg6[%swap3A_146, %swap3A_147], %broadcast_in_dim3A_4 {strides = array<i32>} : memref<40x512xf32, #tpu.memory_space<vmem>>, vector<16xf32>,
      %swap3A_149 = arith.index_cast %scan3A_71 : i32 to index
      %swap3A_150 = arith.constant 416 : index
      %swap3A_151 = tpu.vector_load %arg6[%swap3A_149, %swap3A_150] {strides = array<i32>} : memref<40x512xf32, #tpu.memory_space<vmem>>, vector<16xf32>,
      tpu.vector_store %arg6[%swap3A_149, %swap3A_150], %broadcast_in_dim3A_4 {strides = array<i32>} : memref<40x512xf32, #tpu.memory_space<vmem>>, vector<16xf32>,
      %swap3A_152 = arith.index_cast %scan3A_71 : i32 to index
      %swap3A_153 = arith.constant 432 : index
      %swap3A_154 = tpu.vector_load %arg6[%swap3A_152, %swap3A_153] {strides = array<i32>} : memref<40x512xf32, #tpu.memory_space<vmem>>, vector<16xf32>,
      tpu.vector_store %arg6[%swap3A_152, %swap3A_153], %broadcast_in_dim3A_4 {strides = array<i32>} : memref<40x512xf32, #tpu.memory_space<vmem>>, vector<16xf32>,
      %swap3A_155 = arith.index_cast %scan3A_71 : i32 to index
      %swap3A_156 = arith.constant 448 : index
      %swap3A_157 = tpu.vector_load %arg6[%swap3A_155, %swap3A_156] {strides = array<i32>} : memref<40x512xf32, #tpu.memory_space<vmem>>, vector<16xf32>,
      tpu.vector_store %arg6[%swap3A_155, %swap3A_156], %broadcast_in_dim3A_4 {strides = array<i32>} : memref<40x512xf32, #tpu.memory_space<vmem>>, vector<16xf32>,
      %swap3A_158 = arith.index_cast %scan3A_71 : i32 to index
      %swap3A_159 = arith.constant 464 : index
      %swap3A_160 = tpu.vector_load %arg6[%swap3A_158, %swap3A_159] {strides = array<i32>} : memref<40x512xf32, #tpu.memory_space<vmem>>, vector<16xf32>,
      tpu.vector_store %arg6[%swap3A_158, %swap3A_159], %broadcast_in_dim3A_4 {strides = array<i32>} : memref<40x512xf32, #tpu.memory_space<vmem>>, vector<16xf32>,
      %swap3A_161 = arith.index_cast %scan3A_71 : i32 to index
      %swap3A_162 = arith.constant 480 : index
      %swap3A_163 = tpu.vector_load %arg6[%swap3A_161, %swap3A_162] {strides = array<i32>} : memref<40x512xf32, #tpu.memory_space<vmem>>, vector<16xf32>,
      tpu.vector_store %arg6[%swap3A_161, %swap3A_162], %broadcast_in_dim3A_4 {strides = array<i32>} : memref<40x512xf32, #tpu.memory_space<vmem>>, vector<16xf32>,
      %swap3A_164 = arith.index_cast %scan3A_71 : i32 to index
      %swap3A_165 = arith.constant 496 : index
      %swap3A_166 = tpu.vector_load %arg6[%swap3A_164, %swap3A_165] {strides = array<i32>} : memref<40x512xf32, #tpu.memory_space<vmem>>, vector<16xf32>,
      tpu.vector_store %arg6[%swap3A_164, %swap3A_165], %broadcast_in_dim3A_4 {strides = array<i32>} : memref<40x512xf32, #tpu.memory_space<vmem>>, vector<16xf32>,
    }
    %scan3A_29 = arith.constant 40 : i32
    %scan3A_30 = arith.constant 0 : i32
    %scan3A_31 = arith.constant 40 : i32
    %scan3A_32 = arith.constant 0 : i32
    %scan3A_33 = arith.constant 32 : i32
    %scan3A_34 = arith.addi %scan3A_32, %scan3A_33 : i32
    %scan3A_35 = arith.constant 1 : i32
    scf.for %scan3A_71 = %scan3A_32 to %scan3A_34 step %scan3A_35  : i32 {
      %mul3A_72 = arith.constant 16 : i32
      %mul3A_73 = arith.muli %scan3A_71, %mul3A_72 : i32
      %get3A = arith.index_cast %mul3A_73 : i32 to index
      %get3A_74 = tpu.vector_load %arg4[%get3A] {strides = array<i32>} : memref<512xi32, #tpu.memory_space<vmem>>, vector<16xi32>,
      %mul3A_75 = arith.constant 16 : i32
      %mul3A_76 = arith.muli %scan3A_71, %mul3A_75 : i32
      %add3A_77 = vector.broadcast %mul3A_76 : i32 to vector<16xi32>
      %add3A_78 = arith.addi %iota3A, %add3A_77 : vector<16xi32>
      %sub3A = arith.constant 40 : i32
      %sub3A_79 = vector.broadcast %sub3A : i32 to vector<16xi32>
      %sub3A_80 = arith.subi %get3A_74, %sub3A_79 : vector<16xi32>
      %bitcast3A = vector.bitcast %sub3A_80 : vector<16xi32> to vector<16xi32>
      %lt3A = vector.broadcast %scan3A_31 : i32 to vector<16xi32>
      %lt3A_81 = arith.cmpi ult, %bitcast3A, %lt3A : vector<16xi32>
      tpu.vector_store_idx %arg6[%sub3A_80, %add3A_78], %broadcast_in_dim3A_6 masked %lt3A_81 : memref<40x512xf32, #tpu.memory_space<vmem>>[vector<16xi32>, vector<16xi32>], vector<16xf32>, vector<16xi1>
    }
    %scan3A_36 = arith.constant 32 : i32
    %dma_start3A_37 = arith.constant 40 : i32
    %dma_start3A_38 = tpu.memref_slice %arg3[%dma_start3A_37, %mul3A_2] : memref<1000x16384xf32, #tpu.memory_space<hbm>> -> memref<40x512xf32, #tpu.memory_space<hbm>>
    %dma_start3A_39 = arith.constant 40 : i32
    %dma_start3A_40 = tpu.memref_slice %arg3[%dma_start3A_39, %mul3A_2] : memref<1000x16384xf32, #tpu.memory_space<hbm>> -> memref<40x512xf32, #tpu.memory_space<hbm>>
    tpu.enqueue_dma source(%arg6 : memref<40x512xf32, #tpu.memory_space<vmem>>) target(%dma_start3A_40 : memref<40x512xf32, #tpu.memory_space<hbm>>) target_semaphore(%arg8 : memref<!tpu.dma_semaphore, #tpu.memory_space<semaphore_mem>>)
    %scan3A_41 = arith.constant 0 : i32
    %scan3A_42 = arith.constant 40 : i32
    %scan3A_43 = arith.constant 0 : i32
    %scan3A_44 = arith.constant 11 : i32
    %scan3A_45 = arith.addi %scan3A_43, %scan3A_44 : i32
    %scan3A_46 = arith.constant 1 : i32
    scf.for %scan3A_71 = %scan3A_43 to %scan3A_45 step %scan3A_46  : i32 {
      %mul3A_72 = arith.constant 2 : i32
      %mul3A_73 = arith.muli %mul3A_72, %scan3A_71 : i32
      %add3A_74 = arith.constant 2 : i32
      %add3A_75 = arith.addi %add3A_74, %mul3A_73 : i32
      %add3A_76 = arith.constant 0 : i32
      %add3A_77 = arith.addi %add3A_75, %add3A_76 : i32
      %mul3A_78 = arith.constant 40 : i32
      %mul3A_79 = arith.muli %add3A_77, %mul3A_78 : i32
      %sub3A = arith.constant 80 : i32
      %sub3A_80 = arith.subi %mul3A_79, %sub3A : i32
      %dma_wait3A_81 = tpu.memref_slice %arg3[%sub3A_80, %mul3A_2] : memref<1000x16384xf32, #tpu.memory_space<hbm>> -> memref<40x512xf32, #tpu.memory_space<hbm>>
      %dma_wait3A_82 = tpu.memref_slice %arg3[%sub3A_80, %mul3A_2] : memref<1000x16384xf32, #tpu.memory_space<hbm>> -> memref<40x512xf32, #tpu.memory_space<hbm>>
      tpu.wait_dma2 semaphore(%arg7 : memref<!tpu.dma_semaphore, #tpu.memory_space<semaphore_mem>>) src(%arg5 : memref<40x512xf32, #tpu.memory_space<vmem>>) dst(%dma_wait3A_82 : memref<40x512xf32, #tpu.memory_space<hbm>>)
      %sub3A_83 = arith.constant 80 : i32
      %sub3A_84 = arith.subi %mul3A_79, %sub3A_83 : i32
      %scan3A_85 = arith.constant 0 : i32
      %scan3A_86 = arith.constant 0 : i32
      %scan3A_87 = arith.constant 32 : i32
      %scan3A_88 = arith.addi %scan3A_86, %scan3A_87 : i32
      %scan3A_89 = arith.constant 1 : i32
      scf.for %scan3A_111 = %scan3A_86 to %scan3A_88 step %scan3A_89  : i32 {
        %mul3A_112 = arith.constant 16 : i32
        %mul3A_113 = arith.muli %scan3A_111, %mul3A_112 : i32
        %get3A = arith.index_cast %mul3A_113 : i32 to index
        %get3A_114 = tpu.vector_load %arg4[%get3A] {strides = array<i32>} : memref<512xi32, #tpu.memory_space<vmem>>, vector<16xi32>,
        %mul3A_115 = arith.constant 16 : i32
        %mul3A_116 = arith.muli %scan3A_111, %mul3A_115 : i32
        %add3A_117 = vector.broadcast %mul3A_116 : i32 to vector<16xi32>
        %add3A_118 = arith.addi %iota3A, %add3A_117 : vector<16xi32>
        %sub3A_119 = vector.broadcast %sub3A_84 : i32 to vector<16xi32>
        %sub3A_120 = arith.subi %get3A_114, %sub3A_119 : vector<16xi32>
        %bitcast3A = vector.bitcast %sub3A_120 : vector<16xi32> to vector<16xi32>
        %lt3A = vector.broadcast %scan3A_42 : i32 to vector<16xi32>
        %lt3A_121 = arith.cmpi ult, %bitcast3A, %lt3A : vector<16xi32>
        tpu.vector_store_idx %arg5[%sub3A_120, %add3A_118], %broadcast_in_dim3A_4 masked %lt3A_121 : memref<40x512xf32, #tpu.memory_space<vmem>>[vector<16xi32>, vector<16xi32>], vector<16xf32>, vector<16xi1>
        %sub3A_122 = vector.broadcast %mul3A_79 : i32 to vector<16xi32>
        %sub3A_123 = arith.subi %get3A_114, %sub3A_122 : vector<16xi32>
        %bitcast3A_124 = vector.bitcast %sub3A_123 : vector<16xi32> to vector<16xi32>
        %lt3A_125 = vector.broadcast %scan3A_42 : i32 to vector<16xi32>
        %lt3A_126 = arith.cmpi ult, %bitcast3A_124, %lt3A_125 : vector<16xi32>
        tpu.vector_store_idx %arg5[%sub3A_123, %add3A_118], %broadcast_in_dim3A_6 masked %lt3A_126 : memref<40x512xf32, #tpu.memory_space<vmem>>[vector<16xi32>, vector<16xi32>], vector<16xf32>, vector<16xi1>
      }
      %scan3A_90 = arith.constant 32 : i32
      %dma_start3A_91 = tpu.memref_slice %arg3[%mul3A_79, %mul3A_2] : memref<1000x16384xf32, #tpu.memory_space<hbm>> -> memref<40x512xf32, #tpu.memory_space<hbm>>
      %dma_start3A_92 = tpu.memref_slice %arg3[%mul3A_79, %mul3A_2] : memref<1000x16384xf32, #tpu.memory_space<hbm>> -> memref<40x512xf32, #tpu.memory_space<hbm>>
      tpu.enqueue_dma source(%arg5 : memref<40x512xf32, #tpu.memory_space<vmem>>) target(%dma_start3A_92 : memref<40x512xf32, #tpu.memory_space<hbm>>) target_semaphore(%arg7 : memref<!tpu.dma_semaphore, #tpu.memory_space<semaphore_mem>>)
      %add3A_93 = arith.constant 1 : i32
      %add3A_94 = arith.addi %add3A_75, %add3A_93 : i32
      %mul3A_95 = arith.constant 40 : i32
      %mul3A_96 = arith.muli %add3A_94, %mul3A_95 : i32
      %sub3A_97 = arith.constant 80 : i32
      %sub3A_98 = arith.subi %mul3A_96, %sub3A_97 : i32
      %dma_wait3A_99 = tpu.memref_slice %arg3[%sub3A_98, %mul3A_2] : memref<1000x16384xf32, #tpu.memory_space<hbm>> -> memref<40x512xf32, #tpu.memory_space<hbm>>
      %dma_wait3A_100 = tpu.memref_slice %arg3[%sub3A_98, %mul3A_2] : memref<1000x16384xf32, #tpu.memory_space<hbm>> -> memref<40x512xf32, #tpu.memory_space<hbm>>
      tpu.wait_dma2 semaphore(%arg8 : memref<!tpu.dma_semaphore, #tpu.memory_space<semaphore_mem>>) src(%arg6 : memref<40x512xf32, #tpu.memory_space<vmem>>) dst(%dma_wait3A_100 : memref<40x512xf32, #tpu.memory_space<hbm>>)
      %sub3A_101 = arith.constant 80 : i32
      %sub3A_102 = arith.subi %mul3A_96, %sub3A_101 : i32
      %scan3A_103 = arith.constant 0 : i32
      %scan3A_104 = arith.constant 0 : i32
      %scan3A_105 = arith.constant 32 : i32
      %scan3A_106 = arith.addi %scan3A_104, %scan3A_105 : i32
      %scan3A_107 = arith.constant 1 : i32
      scf.for %scan3A_111 = %scan3A_104 to %scan3A_106 step %scan3A_107  : i32 {
        %mul3A_112 = arith.constant 16 : i32
        %mul3A_113 = arith.muli %scan3A_111, %mul3A_112 : i32
        %get3A = arith.index_cast %mul3A_113 : i32 to index
        %get3A_114 = tpu.vector_load %arg4[%get3A] {strides = array<i32>} : memref<512xi32, #tpu.memory_space<vmem>>, vector<16xi32>,
        %mul3A_115 = arith.constant 16 : i32
        %mul3A_116 = arith.muli %scan3A_111, %mul3A_115 : i32
        %add3A_117 = vector.broadcast %mul3A_116 : i32 to vector<16xi32>
        %add3A_118 = arith.addi %iota3A, %add3A_117 : vector<16xi32>
        %sub3A_119 = vector.broadcast %sub3A_102 : i32 to vector<16xi32>
        %sub3A_120 = arith.subi %get3A_114, %sub3A_119 : vector<16xi32>
        %bitcast3A = vector.bitcast %sub3A_120 : vector<16xi32> to vector<16xi32>
        %lt3A = vector.broadcast %scan3A_42 : i32 to vector<16xi32>
        %lt3A_121 = arith.cmpi ult, %bitcast3A, %lt3A : vector<16xi32>
        tpu.vector_store_idx %arg6[%sub3A_120, %add3A_118], %broadcast_in_dim3A_4 masked %lt3A_121 : memref<40x512xf32, #tpu.memory_space<vmem>>[vector<16xi32>, vector<16xi32>], vector<16xf32>, vector<16xi1>
        %sub3A_122 = vector.broadcast %mul3A_96 : i32 to vector<16xi32>
        %sub3A_123 = arith.subi %get3A_114, %sub3A_122 : vector<16xi32>
        %bitcast3A_124 = vector.bitcast %sub3A_123 : vector<16xi32> to vector<16xi32>
        %lt3A_125 = vector.broadcast %scan3A_42 : i32 to vector<16xi32>
        %lt3A_126 = arith.cmpi ult, %bitcast3A_124, %lt3A_125 : vector<16xi32>
        tpu.vector_store_idx %arg6[%sub3A_123, %add3A_118], %broadcast_in_dim3A_6 masked %lt3A_126 : memref<40x512xf32, #tpu.memory_space<vmem>>[vector<16xi32>, vector<16xi32>], vector<16xf32>, vector<16xi1>
      }
      %scan3A_108 = arith.constant 32 : i32
      %dma_start3A_109 = tpu.memref_slice %arg3[%mul3A_96, %mul3A_2] : memref<1000x16384xf32, #tpu.memory_space<hbm>> -> memref<40x512xf32, #tpu.memory_space<hbm>>
      %dma_start3A_110 = tpu.memref_slice %arg3[%mul3A_96, %mul3A_2] : memref<1000x16384xf32, #tpu.memory_space<hbm>> -> memref<40x512xf32, #tpu.memory_space<hbm>>
      tpu.enqueue_dma source(%arg6 : memref<40x512xf32, #tpu.memory_space<vmem>>) target(%dma_start3A_110 : memref<40x512xf32, #tpu.memory_space<hbm>>) target_semaphore(%arg8 : memref<!tpu.dma_semaphore, #tpu.memory_space<semaphore_mem>>)
    }
    %scan3A_47 = arith.constant 11 : i32
    %dma_wait3A_48 = arith.constant 880 : i32
    %dma_wait3A_49 = tpu.memref_slice %arg3[%dma_wait3A_48, %mul3A_2] : memref<1000x16384xf32, #tpu.memory_space<hbm>> -> memref<40x512xf32, #tpu.memory_space<hbm>>
    %dma_wait3A_50 = arith.constant 880 : i32
    %dma_wait3A_51 = tpu.memref_slice %arg3[%dma_wait3A_50, %mul3A_2] : memref<1000x16384xf32, #tpu.memory_space<hbm>> -> memref<40x512xf32, #tpu.memory_space<hbm>>
    tpu.wait_dma2 semaphore(%arg7 : memref<!tpu.dma_semaphore, #tpu.memory_space<semaphore_mem>>) src(%arg5 : memref<40x512xf32, #tpu.memory_space<vmem>>) dst(%dma_wait3A_51 : memref<40x512xf32, #tpu.memory_space<hbm>>)
    %scan3A_52 = arith.constant 0 : i32
    %scan3A_53 = arith.constant 40 : i32
    %scan3A_54 = arith.constant 0 : i32
    %scan3A_55 = arith.constant 32 : i32
    %scan3A_56 = arith.addi %scan3A_54, %scan3A_55 : i32
    %scan3A_57 = arith.constant 1 : i32
    scf.for %scan3A_71 = %scan3A_54 to %scan3A_56 step %scan3A_57  : i32 {
      %mul3A_72 = arith.constant 16 : i32
      %mul3A_73 = arith.muli %scan3A_71, %mul3A_72 : i32
      %get3A = arith.index_cast %mul3A_73 : i32 to index
      %get3A_74 = tpu.vector_load %arg4[%get3A] {strides = array<i32>} : memref<512xi32, #tpu.memory_space<vmem>>, vector<16xi32>,
      %mul3A_75 = arith.constant 16 : i32
      %mul3A_76 = arith.muli %scan3A_71, %mul3A_75 : i32
      %add3A_77 = vector.broadcast %mul3A_76 : i32 to vector<16xi32>
      %add3A_78 = arith.addi %iota3A, %add3A_77 : vector<16xi32>
      %sub3A = arith.constant 880 : i32
      %sub3A_79 = vector.broadcast %sub3A : i32 to vector<16xi32>
      %sub3A_80 = arith.subi %get3A_74, %sub3A_79 : vector<16xi32>
      %bitcast3A = vector.bitcast %sub3A_80 : vector<16xi32> to vector<16xi32>
      %lt3A = vector.broadcast %scan3A_53 : i32 to vector<16xi32>
      %lt3A_81 = arith.cmpi ult, %bitcast3A, %lt3A : vector<16xi32>
      tpu.vector_store_idx %arg5[%sub3A_80, %add3A_78], %broadcast_in_dim3A_4 masked %lt3A_81 : memref<40x512xf32, #tpu.memory_space<vmem>>[vector<16xi32>, vector<16xi32>], vector<16xf32>, vector<16xi1>
      %sub3A_82 = arith.constant 960 : i32
      %sub3A_83 = vector.broadcast %sub3A_82 : i32 to vector<16xi32>
      %sub3A_84 = arith.subi %get3A_74, %sub3A_83 : vector<16xi32>
      %bitcast3A_85 = vector.bitcast %sub3A_84 : vector<16xi32> to vector<16xi32>
      %lt3A_86 = vector.broadcast %scan3A_53 : i32 to vector<16xi32>
      %lt3A_87 = arith.cmpi ult, %bitcast3A_85, %lt3A_86 : vector<16xi32>
      tpu.vector_store_idx %arg5[%sub3A_84, %add3A_78], %broadcast_in_dim3A_6 masked %lt3A_87 : memref<40x512xf32, #tpu.memory_space<vmem>>[vector<16xi32>, vector<16xi32>], vector<16xf32>, vector<16xi1>
    }
    %scan3A_58 = arith.constant 32 : i32
    %dma_start3A_59 = arith.constant 960 : i32
    %dma_start3A_60 = tpu.memref_slice %arg3[%dma_start3A_59, %mul3A_2] : memref<1000x16384xf32, #tpu.memory_space<hbm>> -> memref<40x512xf32, #tpu.memory_space<hbm>>
    %dma_start3A_61 = arith.constant 960 : i32
    %dma_start3A_62 = tpu.memref_slice %arg3[%dma_start3A_61, %mul3A_2] : memref<1000x16384xf32, #tpu.memory_space<hbm>> -> memref<40x512xf32, #tpu.memory_space<hbm>>
    tpu.enqueue_dma source(%arg5 : memref<40x512xf32, #tpu.memory_space<vmem>>) target(%dma_start3A_62 : memref<40x512xf32, #tpu.memory_space<hbm>>) target_semaphore(%arg7 : memref<!tpu.dma_semaphore, #tpu.memory_space<semaphore_mem>>)
    %dma_wait3A_63 = arith.constant 920 : i32
    %dma_wait3A_64 = tpu.memref_slice %arg3[%dma_wait3A_63, %mul3A_2] : memref<1000x16384xf32, #tpu.memory_space<hbm>> -> memref<40x512xf32, #tpu.memory_space<hbm>>
    %dma_wait3A_65 = arith.constant 920 : i32
    %dma_wait3A_66 = tpu.memref_slice %arg3[%dma_wait3A_65, %mul3A_2] : memref<1000x16384xf32, #tpu.memory_space<hbm>> -> memref<40x512xf32, #tpu.memory_space<hbm>>
    tpu.wait_dma2 semaphore(%arg8 : memref<!tpu.dma_semaphore, #tpu.memory_space<semaphore_mem>>) src(%arg6 : memref<40x512xf32, #tpu.memory_space<vmem>>) dst(%dma_wait3A_66 : memref<40x512xf32, #tpu.memory_space<hbm>>)
    %dma_wait3A_67 = arith.constant 960 : i32
    %dma_wait3A_68 = tpu.memref_slice %arg3[%dma_wait3A_67, %mul3A_2] : memref<1000x16384xf32, #tpu.memory_space<hbm>> -> memref<40x512xf32, #tpu.memory_space<hbm>>
    %dma_wait3A_69 = arith.constant 960 : i32
    %dma_wait3A_70 = tpu.memref_slice %arg3[%dma_wait3A_69, %mul3A_2] : memref<1000x16384xf32, #tpu.memory_space<hbm>> -> memref<40x512xf32, #tpu.memory_space<hbm>>
    tpu.wait_dma2 semaphore(%arg7 : memref<!tpu.dma_semaphore, #tpu.memory_space<semaphore_mem>>) src(%arg5 : memref<40x512xf32, #tpu.memory_space<vmem>>) dst(%dma_wait3A_70 : memref<40x512xf32, #tpu.memory_space<hbm>>)
    return
  }
}

</mosaic_0001>

<sc_bundles>
// kernel: kernel.3.cloned.1.call-start
scs
__scs_entry_jumppad:
0x0: {  	(pc) =	sbr.rel $0x88, $3  }
0x1: {  	(tag) =	ssettag $0x0;
	lr =	simm.s32 $0x1  }
0x2: {  	[smem:$0x3FA0] =	sst lr;
	_ =	strace $0xD0000000  }
0x3: {  	_ = 	snop  }
0x4: {  	_ = 	snop  }
0x5: {  	_ = 	snop  }
0x6: {  	_ = 	snop  }
0x7: {  	_ = 	snop  }
__scs_overlays_trampoline_lowered:
0x8: {  	[smem:$0x3FAF] =	sst s0  }
0x9: {  	[smem:$0x3FB0] =	sst s1  }
0xa: {  	[smem:$0x3FB1] =	sst s2  }
0xb: {  	[smem:$0x3FB2] =	sst s3  }
0xc: {  	[smem:$0x3FB3] =	sst s4  }
0xd: {  	[smem:$0x3FB4] =	sst s5  }
0xe: {  	[smem:$0x3FB5] =	sst s6  }
0xf: {  	[smem:$0x3FB6] =	sst s7  }
0x10: {  	[smem:$0x3FB7] =	sst s8  }
0x11: {  	[smem:$0x3FB8] =	sst s9;
	s0 =	simm.s32 @!p0 $0x0  }
0x12: {  	s1 =	sld [smem:$0x3F9E];
	s0 =	simm.s32 @p0 $0x1  }
0x13: {  	[smem:$0x3FB9] =	sst s0;
	s0 =	simm.s32 @!p1 $0x0  }
0x14: {  	s2 =	sld [smem:$0x3F9D];
	s0 =	simm.s32 @p1 $0x1  }
0x15: {  	[smem:$0x3FBA] =	sst s0;
	s0 =	simm.s32 @!p2 $0x0  }
0x16: {  	s3 =	sld [smem:$0x3FDB];
	s0 =	simm.s32 @p2 $0x1  }
0x17: {  	s4 =	simm.s32 $0x1BF5;
	[smem:$0x3FBC] =	sst s0  }
0x18: {  	s0 =	sld [smem:$0x3F9F];
	_ =	swait.ge [sflag:s4], $0x0  }
0x19: {  	s7 =	sld [smem:$0x3FA0]  }
0x1a: {  	s8 =	sadd.s32 $0xFFFFE003, lr  }
0x1b: {  	s9 =	sadd.s32 $0xFFFFFEF7, lr;
	s5 =	simm.s32 $0xFFFFFFFF;
	p2 =	slt.u32 s8, $0xFFFFF086  }
0x1c: {  	p1 =	slt.u32 s9, $0xF7A;
	s5 =	simm.s32 @!p2 $0x0  }
0x1d: {  	s5 =	simm.s32 @p1 $0x1;
	p0 =	seq.s32 s7, s2  }
0x1e: {  	s7 =	smul.u32 @!p0 $0xF7A, s2;
	p2 =	seq.s32 @!p0 s5, $0x0  }
0x1f: {  	s9 =	smul.u32 $0xF7A, s1;
	s8 =	simm.s32 @!p0 $0x1BF5;
	p2 =	por !p2, p0  }
0x20: {  	[sflag:s8] =	ssyncset.s32 @!p0 $0xFFFFF086;
	s6 =	sadd.s32 @!p0 s3, s7;
	s7 =	simm.s32 @!p0 $0x108  }
0x21: {  	s3 =	sadd.s32 s3, s9;
	s6 =	sadd.s32 @!p0 $0x88, s6;
	s7 =	simm.s32 @p2 $0x1082  }
0x22: {  	[simem:s7], [sflag:s8] =	dma.local @!p0 [hbm:s6], $0xF7A  }
0x23: {  	s9 =	sor.u32 $0xD0000000, s2;
	s6 =	simm.s32 $0x108;
	_ =	swait.ge @!p0 [sflag:s8], $0x0  }
0x24: {  	s3 =	sadd.s32 $0x88, s3;
	s6 =	simm.s32 @!p1 $0x1082;
	[sflag:s4] =	ssyncset.s32 $0xFFFFF086  }
0x25: {  	[simem:s6], [sflag:s4] =	dma.local [hbm:s3], $0xF7A  }
0x26: {  	[smem:$0x3FA0] =	sst s1;
	(tag) =	ssettag s2;
	_ =	strace s9  }
0x27: {  	s1 =	sld [smem:$0x3FB0]  }
0x28: {  	s2 =	sld [smem:$0x3FB1]  }
0x29: {  	s4 =	sld [smem:$0x3FB3]  }
0x2a: {  	p0 =	seq.s32 s5, $0x0;
	s5 =	sld [smem:$0x3FB4]  }
0x2b: {  	s6 =	sld [smem:$0x3FB5]  }
0x2c: {  	s7 =	sld [smem:$0x3FB6]  }
0x2d: {  	s3 =	simm.s32 $0x108;
	s8 =	sld [smem:$0x3FB7]  }
0x2e: {  	s3 =	simm.s32 @!p0 $0x1082;
	s9 =	sld [smem:$0x3FB8]  }
0x2f: {  	lr =	sadd.s32 s0, s3;
	s0 =	sld [smem:$0x3FAF]  }
0x30: {  	s3 =	sld [smem:$0x3FB2]  }
0x31: {  	[smem:$0x3FBB] =	sst s10  }
0x32: {  	s10 =	sld [smem:$0x3FB9];
	_ =	sdelay $0x3  }
0x33: {  	p0 =	seq.s32 s10, $0x1;
	s10 =	sld [smem:$0x3FBB];
	_ =	sdelay $0x3  }
0x34: {  	[smem:$0x3FBB] =	sst s10  }
0x35: {  	s10 =	sld [smem:$0x3FBA];
	_ =	sdelay $0x3  }
0x36: {  	p1 =	seq.s32 s10, $0x1;
	s10 =	sld [smem:$0x3FBB];
	_ =	sdelay $0x3  }
0x37: {  	[smem:$0x3FBB] =	sst s10  }
0x38: {  	s10 =	sld [smem:$0x3FBC]  }
0x39: {  	_ = 	snop;
	(pc) =	sbr.ind lr, $3  }
0x3a: {  	_ = 	snop  }
0x3b: {  	_ = 	snop  }
0x3c: {  	p2 =	seq.s32 s10, $0x1;
	s10 =	sld [smem:$0x3FBB]  }
0x3d: {  	_ =	shalt  }
0x3e: {  	_ =	shalt  }
0x3f: {  	_ =	shalt  }
0x40: {  	_ =	shalt  }
0x41: {  	_ =	shalt  }
0x42: {  	_ =	shalt  }
0x43: {  	_ =	shalt  }
0x44: {  	_ =	shalt  }
0x45: {  	_ =	shalt  }
0x46: {  	_ =	shalt  }
0x47: {  	_ =	shalt  }
0x48: {  	_ =	shalt  }
0x49: {  	_ =	shalt  }
0x4a: {  	_ =	shalt  }
0x4b: {  	_ =	shalt  }
0x4c: {  	_ =	shalt  }
0x4d: {  	_ =	shalt  }
0x4e: {  	_ =	shalt  }
0x4f: {  	_ =	shalt  }
0x50: {  	_ =	shalt  }
0x51: {  	_ =	shalt  }
0x52: {  	_ =	shalt  }
0x53: {  	_ =	shalt  }
0x54: {  	_ =	shalt  }
0x55: {  	_ =	shalt  }
0x56: {  	_ =	shalt  }
0x57: {  	_ =	shalt  }
0x58: {  	_ =	shalt  }
0x59: {  	_ =	shalt  }
0x5a: {  	_ =	shalt  }
0x5b: {  	_ =	shalt  }
0x5c: {  	_ =	shalt  }
0x5d: {  	_ =	shalt  }
0x5e: {  	_ =	shalt  }
0x5f: {  	_ =	shalt  }
0x60: {  	_ =	shalt  }
0x61: {  	_ =	shalt  }
0x62: {  	_ =	shalt  }
0x63: {  	_ =	shalt  }
0x64: {  	_ =	shalt  }
0x65: {  	_ =	shalt  }
0x66: {  	_ =	shalt  }
0x67: {  	_ =	shalt  }
0x68: {  	_ =	shalt  }
0x69: {  	_ =	shalt  }
0x6a: {  	_ =	shalt  }
0x6b: {  	_ =	shalt  }
0x6c: {  	_ =	shalt  }
0x6d: {  	_ =	shalt  }
0x6e: {  	_ =	shalt  }
0x6f: {  	_ =	shalt  }
0x70: {  	_ =	shalt  }
0x71: {  	_ =	shalt  }
0x72: {  	_ =	shalt  }
0x73: {  	_ =	shalt  }
0x74: {  	_ =	shalt  }
0x75: {  	_ =	shalt  }
0x76: {  	_ =	shalt  }
0x77: {  	_ =	shalt  }
0x78: {  	_ =	shalt  }
0x79: {  	_ =	shalt  }
0x7a: {  	_ =	shalt  }
0x7b: {  	_ =	shalt  }
0x7c: {  	_ =	shalt  }
0x7d: {  	_ =	shalt  }
0x7e: {  	_ =	shalt  }
0x7f: {  	_ =	shalt  }
0x80: {  	_ =	shalt  }
0x81: {  	_ =	shalt  }
0x82: {  	_ =	shalt  }
0x83: {  	_ =	shalt  }
0x84: {  	_ =	shalt  }
0x85: {  	_ =	shalt  }
0x86: {  	_ =	shalt  }
0x87: {  	_ =	shalt  }
.Lfunc_end0:
.L_simem_size_0:
called_computation_lowered:
.L_overlay_start_0:
0x88: {  	s2 =	sld [smem:$0x3FD9]  }
0x89: {  	s3 =	sld [smem:$0x3FFE];
	_ =	sdelay $0x1  }
0x8a: {  	s1 =	srdreg.scid  }
0x8b: {  	s0 =	sand.u32 $0x1, s1  }
0x8c: {  	s18 =	sshll.u32 s0, $0xA;
	s2 =	sadd.s32 s3, s2  }
0x8d: {  	s2 =	sadd.s32 s2, s18  }
0x8e: {  	[smem:$0x3FC7] =	sst s2  }
0x8f: {  	_ = 	snop  }
0x90: {  	s2 =	sld [smem:$0x3FC9]  }
0x91: {  	s19 =	sld [smem:$0x3FD0];
	(tm) =	ssettm $0x1  }
0x92: {  	s4 =	sld [smem:$0x3FFB];
	_ =	sdelay $0x3  }
0x93: {  	_ =	strace s4  }
0x94: {  	s4 =	sld [smem:$0x3FFC];
	_ =	sdelay $0x3  }
0x95: {  	_ =	strace s4  }
0x96: {  	s4 =	sld [smem:$0x3FFD];
	_ =	sdelay $0x3  }
0x97: {  	_ =	strace s4  }
0x98: {  	_ =	strace $0x8FFFFFFF  }
0x99: {  	s20 =	sld [smem:$0x3FDB];
	_ =	sdelay $0x1  }
0x9a: {  	s5 =	simm.s32 $_scs_section_size  }
0x9b: {  	s6 =	simm.s32 $_size__tile_overlayer_lowered;
	s7 =	simm.s32 $_tile_overlayer_lowered  }
0x9c: {  	s23 =	simm.s32 $0x1BFF;
	s22 =	sshll.u32 s7, $0x1;
	s4 =	sadd.s32 s5, s20  }
0x9d: {  	s8 =	simm.s32 $0x0;
	s21 =	sshll.u32 s6, $0x1;
	s6 =	sadd.s32 s22, s4  }
0x9e: {  	[timem:s8], [sflag:s23] =	dma.local [hbm:s6], s21  }
0x9f: {  	_ =	swait.ge [sflag:s23], s21  }
0xa0: {  	s5 =	ssub.s32 $0x0, s21;
	[sflag:s23] =	ssyncset.done $0x0  }
0xa1: {  	[sflag:s23] =	ssyncadd.s32 s5;
	_ =	sdelay $0x1  }
0xa2: {  	s24 =	simm.s32 $0x1B8B  }
0xa3: {  	_ =	swait.ge [sflag:s24], $0x1  }
0xa4: {  	[sflag:s24] =	ssyncset.done $0x0  }
0xa5: {  	s25 =	simm.s32 $0x1B8E;
	[sflag:s24] =	ssyncadd.s32 $0xFFFFFFFF  }
0xa6: {  	s26 =	simm.s32 $execute0_lowered;
	[smem:$0x3FD2] =	sst s25  }
0xa7: {  	s5 =	sshll.u32 s26, $0x1;
	_ =	strace $0x80000046;
	[dreg:$0x1] =	wrdreg $0xFFFFFFFF  }
0xa8: {  	s28 =	simm.s32 $_size_execute0_lowered;
	s4 =	sadd.s32 s4, s5;
	[dreg:$0x0] =	wrdreg $0x0  }
0xa9: {  	s5 =	sshll.u32 s28, $0x1;
	[dreg:$0x2] =	wrdreg s4  }
0xaa: {  	[dreg:$0x3] =	wrdreg s5  }
0xab: {  	[dreg:$0x4] =	wrdreg $0xC0  }
0xac: {  	_ =	task [dreg:s8], $0x5FFFF  }
0xad: {  	[dreg:$0x1] =	wrdreg $0xFFFFFFFF  }
0xae: {  	[dreg:$0x0] =	wrdreg $0x60  }
0xaf: {  	[dreg:$0x2] =	wrdreg s2  }
0xb0: {  	[dreg:$0x3] =	wrdreg s19  }
0xb1: {  	[dreg:$0x4] =	wrdreg $0x9  }
0xb2: {  	_ =	task.clear_ibuf [dreg:s8], $0x5FFFF;
	_ =	strace $0x90000046  }
0xb3: {  	s29 =	simm.s32 $0x9;
	_ =	strace $0x80000048  }
0xb4: {  	_ =	swait.ge [sflag:s29], $0x1  }
0xb5: {  	[sflag:s29] =	ssyncadd.s32 $0xFFFFFFFF  }
0xb6: {  	_ =	strace $0x90000048  }
0xb7: {  	_ =	sfence  }
0xb8: {  	s30 =	sld [smem:$0x0];
	_ =	sdelay $0x2  }
0xb9: {  	s31 =	sshll.u32 s1, $0xD;
	s1 =	sshrl.u32 s1, $0x2  }
0xba: {  	s3 =	sand.u32 $0x4000, s31;
	s1 =	sadd.s32 s1, s30  }
0xbb: {  	s0 =	sor.u32 s3, s0;
	s1 =	sshll.u32 s1, $0x11  }
0xbc: {  	s0 =	sor.u32 s1, s0  }
0xbd: {  	s0 =	sadd.s32 $0x8F2B, s0  }
0xbe: {  	[sflag:s0] =	ssyncadd.remote.s32 $0x1  }
0xbf: {  	_ =	sfence.sel $0xFFFF  }
0xc0: {  	[dreg:$0x0] =	wrdreg $0xFFFFFFFF;
	(pc) =	sbr.abs _section_cstart, $3  }
0xc1: {  	[dreg:$0x1] =	wrdreg $0xFFFFFFFF  }
0xc2: {  	_ =	task.clear_ibuf [dreg:s8], $0x2FFFF;
	_ =	strace $0x9FFFFFFF  }
0xc3: {  	(tm) =	ssettm $0x7FFFFFFF  }
tec
execute0_lowered:
.L_overlay_start_1:
0x0: {  	(tag) =	ssettag $0x1  }
0x1: {  	s4 =	rddreg [dreg:$0x0]  }
0x2: {  	s3 =	rddreg [dreg:$0x1]  }
0x3: {  	s0 =	rddreg [dreg:$0x2];
	s5 =	srdreg.scid  }
0x4: {  	s2 =	simm.s32 $0x0;
	s1 =	stileid.u32;
	s9 =	simm.s32 $0x200  }
0x5: {  	s10 =	simm.s32 $0x1000;
	s11 =	simm.s32 $0x20000;
	s12 =	simm.s32 $0x5200  }
0x6: {  	s13 =	simm.s32 $0x2;
	s14 =	simm.s32 $0x0;
	s5 =	sand.u32 $0x1, s5  }
0x7: {  	[smem:$0x7FF] =	sst s2;
	s6 =	sshll.u32 s1, $0xA;
	s7 =	sshll.u32 s5, $0x9  }
0x8: {  	_ =	strace $0x80000047;
	s5 =	ssub.s32 $0x2, s5;
	s6 =	sor.u32 s7, s6  }
0x9: {  	s31 =	sshrl.u32 s5, $0x1;
	s8 =	sshrl.u32 s6, $0x3;
	s3 =	sadd.s32 s3, s6  }
0xa: {  	s7 =	ssub.s32 s5, s31;
	s4 =	sadd.s32 s4, s8;
	s5 =	sadd.s32 $0x14000, s3  }
0xb: {  	v0 =	vimm.f32 $9.999999740e-05;
	v1 =	vlaneseq.u32;
	v2 =	vimm.f32 $8.999999760e-01;
	s6 =	sadd.s32 $0x1E0000, s3;
	s7 =	smax.u32 s7, $0x1;
	s8 =	simm.s32 $0x1  }
.LBB2_1:
0xc: {  	[tilespmem:s2], [sflag:$0x1] =	stream.linear.gather [hbm4b:s4+s2], $0x200, $0x38;
	[tilespmem:$0xA200] =	vst v63  }
0xd: {  	s15 =	sand.u32 $0x7000, s2;
	s16 =	sand.u32 $0x380, s2  }
0xe: {  	s15 =	sor.u32 s16, s15  }
0xf: {  	[tilespmem:s15+$0xE70] =	vst v0  }
0x10: {  	[tilespmem:s15+$0x200] =	vst v0  }
0x11: {  	[tilespmem:s15+$0x210] =	vst v0  }
0x12: {  	[tilespmem:s15+$0x220] =	vst v0  }
0x13: {  	[tilespmem:s15+$0x230] =	vst v0  }
0x14: {  	[tilespmem:s15+$0x240] =	vst v0  }
0x15: {  	[tilespmem:s15+$0x250] =	vst v0  }
0x16: {  	[tilespmem:s15+$0x260] =	vst v0  }
0x17: {  	[tilespmem:s15+$0x270] =	vst v0  }
0x18: {  	[tilespmem:s15+$0x600] =	vst v0  }
0x19: {  	[tilespmem:s15+$0x610] =	vst v0  }
0x1a: {  	[tilespmem:s15+$0x620] =	vst v0  }
0x1b: {  	[tilespmem:s15+$0x630] =	vst v0  }
0x1c: {  	[tilespmem:s15+$0x640] =	vst v0  }
0x1d: {  	[tilespmem:s15+$0x650] =	vst v0  }
0x1e: {  	[tilespmem:s15+$0x660] =	vst v0  }
0x1f: {  	[tilespmem:s15+$0x670] =	vst v0  }
0x20: {  	[tilespmem:s15+$0xA00] =	vst v0  }
0x21: {  	[tilespmem:s15+$0xA10] =	vst v0  }
0x22: {  	[tilespmem:s15+$0xA20] =	vst v0  }
0x23: {  	[tilespmem:s15+$0xA30] =	vst v0  }
0x24: {  	[tilespmem:s15+$0xA40] =	vst v0  }
0x25: {  	[tilespmem:s15+$0xA50] =	vst v0  }
0x26: {  	[tilespmem:s15+$0xA60] =	vst v0  }
0x27: {  	[tilespmem:s15+$0xA70] =	vst v0  }
0x28: {  	[tilespmem:s15+$0xE00] =	vst v0  }
0x29: {  	[tilespmem:s15+$0xE10] =	vst v0  }
0x2a: {  	[tilespmem:s15+$0xE20] =	vst v0  }
0x2b: {  	[tilespmem:s15+$0xE30] =	vst v0  }
0x2c: {  	s17 =	simm.s32 $0x200;
	s16 =	simm.s32 $0x80;
	[tilespmem:s15+$0xE40] =	vst v0  }
0x2d: {  	s18 =	sand.u32 $0x7000, s17;
	s17 =	simm.s32 $0x400;
	s19 =	sand.u32 $0x380, s16;
	[tilespmem:s15+$0xE50] =	vst v0  }
.LBB2_2:
0x2e: {  	p0 =	sne.s32 s17, $0x4E00;
	[tilespmem:s15+$0xE60] =	vst v0;
	s15 =	sor.u32 s19, s18  }
0x2f: {  	[tilespmem:s15+$0xE70] =	vst v0  }
0x30: {  	[tilespmem:s15+$0x200] =	vst v0  }
0x31: {  	[tilespmem:s15+$0x210] =	vst v0  }
0x32: {  	[tilespmem:s15+$0x220] =	vst v0  }
0x33: {  	[tilespmem:s15+$0x230] =	vst v0  }
0x34: {  	[tilespmem:s15+$0x240] =	vst v0  }
0x35: {  	[tilespmem:s15+$0x250] =	vst v0  }
0x36: {  	[tilespmem:s15+$0x260] =	vst v0  }
0x37: {  	[tilespmem:s15+$0x270] =	vst v0  }
0x38: {  	[tilespmem:s15+$0x600] =	vst v0  }
0x39: {  	[tilespmem:s15+$0x610] =	vst v0  }
0x3a: {  	[tilespmem:s15+$0x620] =	vst v0  }
0x3b: {  	[tilespmem:s15+$0x630] =	vst v0  }
0x3c: {  	[tilespmem:s15+$0x640] =	vst v0  }
0x3d: {  	[tilespmem:s15+$0x650] =	vst v0  }
0x3e: {  	[tilespmem:s15+$0x660] =	vst v0  }
0x3f: {  	[tilespmem:s15+$0x670] =	vst v0  }
0x40: {  	[tilespmem:s15+$0xA00] =	vst v0  }
0x41: {  	[tilespmem:s15+$0xA10] =	vst v0  }
0x42: {  	[tilespmem:s15+$0xA20] =	vst v0  }
0x43: {  	[tilespmem:s15+$0xA30] =	vst v0  }
0x44: {  	[tilespmem:s15+$0xA40] =	vst v0  }
0x45: {  	[tilespmem:s15+$0xA50] =	vst v0  }
0x46: {  	[tilespmem:s15+$0xA60] =	vst v0  }
0x47: {  	[tilespmem:s15+$0xA70] =	vst v0  }
0x48: {  	[tilespmem:s15+$0xE00] =	vst v0  }
.Ltmp0:
0x49: {  	[tilespmem:s15+$0xE10] =	vst v0;
	(pc) =	sbr.rel @p0 .LBB2_2-.Ltmp0, $4  }
0x4a: {  	[tilespmem:s15+$0xE20] =	vst v0  }
0x4b: {  	[tilespmem:s15+$0xE30] =	vst v0  }
0x4c: {  	s16 =	sadd.s32 $0x80, s16;
	[tilespmem:s15+$0xE40] =	vst v0  }
0x4d: {  	s18 =	sand.u32 $0x7000, s17;
	s17 =	sadd.s32 $0x200, s17;
	s19 =	sand.u32 $0x380, s16;
	[tilespmem:s15+$0xE50] =	vst v0  }
0x4e: {  	s16 =	sor.u32 s19, s18;
	[tilespmem:s15+$0xE60] =	vst v0  }
0x4f: {  	[tilespmem:s16+$0xE70] =	vst v0  }
0x50: {  	[tilespmem:s16+$0x200] =	vst v0  }
0x51: {  	[tilespmem:s16+$0x210] =	vst v0  }
0x52: {  	[tilespmem:s16+$0x220] =	vst v0  }
0x53: {  	[tilespmem:s16+$0x230] =	vst v0  }
0x54: {  	[tilespmem:s16+$0x240] =	vst v0  }
0x55: {  	[tilespmem:s16+$0x250] =	vst v0  }
0x56: {  	[tilespmem:s16+$0x260] =	vst v0  }
0x57: {  	[tilespmem:s16+$0x270] =	vst v0  }
0x58: {  	[tilespmem:s16+$0x600] =	vst v0  }
0x59: {  	[tilespmem:s16+$0x610] =	vst v0  }
0x5a: {  	[tilespmem:s16+$0x620] =	vst v0  }
0x5b: {  	[tilespmem:s16+$0x630] =	vst v0  }
0x5c: {  	[tilespmem:s16+$0x640] =	vst v0  }
0x5d: {  	[tilespmem:s16+$0x650] =	vst v0  }
0x5e: {  	[tilespmem:s16+$0x660] =	vst v0  }
0x5f: {  	[tilespmem:s16+$0x670] =	vst v0  }
0x60: {  	[tilespmem:s16+$0xA00] =	vst v0  }
0x61: {  	[tilespmem:s16+$0xA10] =	vst v0  }
0x62: {  	[tilespmem:s16+$0xA20] =	vst v0  }
0x63: {  	[tilespmem:s16+$0xA30] =	vst v0  }
0x64: {  	[tilespmem:s16+$0xA40] =	vst v0  }
0x65: {  	[tilespmem:s16+$0xA50] =	vst v0  }
0x66: {  	[tilespmem:s16+$0xA60] =	vst v0  }
0x67: {  	[tilespmem:s16+$0xA70] =	vst v0  }
0x68: {  	[tilespmem:s16+$0xE00] =	vst v0  }
0x69: {  	[tilespmem:s16+$0xE10] =	vst v0  }
0x6a: {  	[tilespmem:s16+$0xE20] =	vst v0  }
0x6b: {  	[tilespmem:s16+$0xE30] =	vst v0  }
0x6c: {  	[tilespmem:s16+$0xE40] =	vst v0  }
0x6d: {  	[tilespmem:s16+$0xE50] =	vst v0  }
0x6e: {  	[tilespmem:s16+$0xE60] =	vst v0  }
0x6f: {  	_ =	swait.ge [sflag:s8], $0x200  }
0x70: {  	[sflag:s8] =	ssyncset.done $0x0  }
0x71: {  	s15 =	simm.s32 $0x0;
	[sflag:s8] =	ssyncadd.s32 $0xFFFFFE00  }
0x72: {  	s17 =	simm.s32 $0x0;
	s16 =	simm.s32 $0x10;
	v3 =	vld [tilespmem:s15+$0x0]  }
.LBB2_4:
0x73: {  	p0 =	sne.s32 s16, $0x1F0;
	_ =	sdelay $0x1  }
0x74: {  	v4 =	vmov s15  }
0x75: {  	v5 =	vor.u32 s15, v1;
	s15 =	smov.u32 s16;
	v4 =	vshll.u32 v4, $0x3  }
0x76: {  	v5 =	vand.u32 $0x7F, v5;
	v4 =	vand.u32 $0xC00, v4;
	v6 =	vshll.u32 v3, $0x9  }
0x77: {  	v4 =	vor.u32 v4, v5;
	v7 =	vshll.u32 v3, $0x7;
	v6 =	vand.u32 $0xFFFFF000, v6  }
0x78: {  	vm0 =	vlt.u32 v3, $0x28;
	v3 =	vand.u32 $0x380, v7;
	v4 =	vor.u32 v6, v4  }
0x79: {  	v3 =	vor.u32 v3, v4;
	_ =	sdelay $0x1  }
.Ltmp1:
0x7a: {  	(pc) =	sbr.rel @p0 .LBB2_4-.Ltmp1, $3  }
0x7b: {  	_ =	sdelay $0x1  }
0x7c: {  	s17 =	sadd.s32 $0x10, s17;
	[tilespmem:v3+s9+$0x0] =	vst.idx.msk vm0, v2  }
0x7d: {  	s16 =	sadd.s32 $0x10, s16;
	v3 =	vld [tilespmem:s17+$0x0]  }
0x7e: {  	_ =	sdelay $0x1  }
0x7f: {  	v4 =	vmov s15  }
0x80: {  	v5 =	vor.u32 s15, v1;
	v4 =	vshll.u32 v4, $0x3  }
0x81: {  	v5 =	vand.u32 $0x7F, v5;
	v4 =	vand.u32 $0xC00, v4;
	v6 =	vshll.u32 v3, $0x9  }
0x82: {  	v4 =	vor.u32 v4, v5;
	v7 =	vshll.u32 v3, $0x7;
	v6 =	vand.u32 $0xFFFFF000, v6  }
0x83: {  	vm0 =	vlt.u32 v3, $0x28;
	v3 =	vand.u32 $0x380, v7;
	v4 =	vor.u32 v6, v4  }
0x84: {  	v3 =	vor.u32 v3, v4;
	_ =	sdelay $0x2  }
0x85: {  	s15 =	simm.s32 $0x0  }
0x86: {  	s16 =	sand.u32 $0x7000, s15;
	s17 =	sand.u32 $0x380, s15  }
0x87: {  	s16 =	sor.u32 s17, s16;
	[tilespmem:v3+s9+$0x0] =	vst.idx.msk vm0, v2  }
0x88: {  	[hbm4b:s3+s10] =	stream.strided.scatter [tilespmem:s9], [sflag:$0x1], $0x5000, s11, s10, $0x38;
	[tilespmem:$0xA200] =	vst v63  }
0x89: {  	[tilespmem:s16+$0x5E70] =	vst v0  }
0x8a: {  	[tilespmem:s16+$0x5200] =	vst v0  }
0x8b: {  	[tilespmem:s16+$0x5210] =	vst v0  }
0x8c: {  	[tilespmem:s16+$0x5220] =	vst v0  }
0x8d: {  	[tilespmem:s16+$0x5230] =	vst v0  }
0x8e: {  	[tilespmem:s16+$0x5240] =	vst v0  }
0x8f: {  	[tilespmem:s16+$0x5250] =	vst v0  }
0x90: {  	[tilespmem:s16+$0x5260] =	vst v0  }
0x91: {  	[tilespmem:s16+$0x5270] =	vst v0  }
0x92: {  	[tilespmem:s16+$0x5600] =	vst v0  }
0x93: {  	[tilespmem:s16+$0x5610] =	vst v0  }
0x94: {  	[tilespmem:s16+$0x5620] =	vst v0  }
0x95: {  	[tilespmem:s16+$0x5630] =	vst v0  }
0x96: {  	[tilespmem:s16+$0x5640] =	vst v0  }
0x97: {  	[tilespmem:s16+$0x5650] =	vst v0  }
0x98: {  	[tilespmem:s16+$0x5660] =	vst v0  }
0x99: {  	[tilespmem:s16+$0x5670] =	vst v0  }
0x9a: {  	[tilespmem:s16+$0x5A00] =	vst v0  }
0x9b: {  	[tilespmem:s16+$0x5A10] =	vst v0  }
0x9c: {  	[tilespmem:s16+$0x5A20] =	vst v0  }
0x9d: {  	[tilespmem:s16+$0x5A30] =	vst v0  }
0x9e: {  	[tilespmem:s16+$0x5A40] =	vst v0  }
0x9f: {  	[tilespmem:s16+$0x5A50] =	vst v0  }
0xa0: {  	[tilespmem:s16+$0x5A60] =	vst v0  }
0xa1: {  	[tilespmem:s16+$0x5A70] =	vst v0  }
0xa2: {  	[tilespmem:s16+$0x5E00] =	vst v0  }
0xa3: {  	[tilespmem:s16+$0x5E10] =	vst v0  }
0xa4: {  	[tilespmem:s16+$0x5E20] =	vst v0  }
0xa5: {  	[tilespmem:s16+$0x5E30] =	vst v0  }
0xa6: {  	s18 =	simm.s32 $0x200;
	s17 =	simm.s32 $0x80;
	[tilespmem:s16+$0x5E40] =	vst v0  }
0xa7: {  	s19 =	sand.u32 $0x7000, s18;
	s18 =	simm.s32 $0x400;
	s20 =	sand.u32 $0x380, s17;
	[tilespmem:s16+$0x5E50] =	vst v0  }
.LBB2_6:
0xa8: {  	p0 =	sne.s32 s18, $0x4E00;
	[tilespmem:s16+$0x5E60] =	vst v0;
	s16 =	sor.u32 s20, s19  }
0xa9: {  	[tilespmem:s16+$0x5E70] =	vst v0  }
0xaa: {  	[tilespmem:s16+$0x5200] =	vst v0  }
0xab: {  	[tilespmem:s16+$0x5210] =	vst v0  }
0xac: {  	[tilespmem:s16+$0x5220] =	vst v0  }
0xad: {  	[tilespmem:s16+$0x5230] =	vst v0  }
0xae: {  	[tilespmem:s16+$0x5240] =	vst v0  }
0xaf: {  	[tilespmem:s16+$0x5250] =	vst v0  }
0xb0: {  	[tilespmem:s16+$0x5260] =	vst v0  }
0xb1: {  	[tilespmem:s16+$0x5270] =	vst v0  }
0xb2: {  	[tilespmem:s16+$0x5600] =	vst v0  }
0xb3: {  	[tilespmem:s16+$0x5610] =	vst v0  }
0xb4: {  	[tilespmem:s16+$0x5620] =	vst v0  }
0xb5: {  	[tilespmem:s16+$0x5630] =	vst v0  }
0xb6: {  	[tilespmem:s16+$0x5640] =	vst v0  }
0xb7: {  	[tilespmem:s16+$0x5650] =	vst v0  }
0xb8: {  	[tilespmem:s16+$0x5660] =	vst v0  }
0xb9: {  	[tilespmem:s16+$0x5670] =	vst v0  }
0xba: {  	[tilespmem:s16+$0x5A00] =	vst v0  }
0xbb: {  	[tilespmem:s16+$0x5A10] =	vst v0  }
0xbc: {  	[tilespmem:s16+$0x5A20] =	vst v0  }
0xbd: {  	[tilespmem:s16+$0x5A30] =	vst v0  }
0xbe: {  	[tilespmem:s16+$0x5A40] =	vst v0  }
0xbf: {  	[tilespmem:s16+$0x5A50] =	vst v0  }
0xc0: {  	[tilespmem:s16+$0x5A60] =	vst v0  }
0xc1: {  	[tilespmem:s16+$0x5A70] =	vst v0  }
0xc2: {  	[tilespmem:s16+$0x5E00] =	vst v0  }
.Ltmp2:
0xc3: {  	[tilespmem:s16+$0x5E10] =	vst v0;
	(pc) =	sbr.rel @p0 .LBB2_6-.Ltmp2, $4  }
0xc4: {  	[tilespmem:s16+$0x5E20] =	vst v0  }
0xc5: {  	[tilespmem:s16+$0x5E30] =	vst v0  }
0xc6: {  	s17 =	sadd.s32 $0x80, s17;
	[tilespmem:s16+$0x5E40] =	vst v0  }
0xc7: {  	s19 =	sand.u32 $0x7000, s18;
	s18 =	sadd.s32 $0x200, s18;
	s20 =	sand.u32 $0x380, s17;
	[tilespmem:s16+$0x5E50] =	vst v0  }
0xc8: {  	s17 =	sor.u32 s20, s19;
	[tilespmem:s16+$0x5E60] =	vst v0  }
0xc9: {  	[tilespmem:s17+$0x5E70] =	vst v0  }
0xca: {  	[tilespmem:s17+$0x5200] =	vst v0  }
0xcb: {  	[tilespmem:s17+$0x5210] =	vst v0  }
0xcc: {  	[tilespmem:s17+$0x5220] =	vst v0  }
0xcd: {  	[tilespmem:s17+$0x5230] =	vst v0  }
0xce: {  	[tilespmem:s17+$0x5240] =	vst v0  }
0xcf: {  	[tilespmem:s17+$0x5250] =	vst v0  }
0xd0: {  	[tilespmem:s17+$0x5260] =	vst v0  }
0xd1: {  	[tilespmem:s17+$0x5270] =	vst v0  }
0xd2: {  	[tilespmem:s17+$0x5600] =	vst v0  }
0xd3: {  	[tilespmem:s17+$0x5610] =	vst v0  }
0xd4: {  	[tilespmem:s17+$0x5620] =	vst v0  }
0xd5: {  	[tilespmem:s17+$0x5630] =	vst v0  }
0xd6: {  	[tilespmem:s17+$0x5640] =	vst v0  }
0xd7: {  	[tilespmem:s17+$0x5650] =	vst v0  }
0xd8: {  	[tilespmem:s17+$0x5660] =	vst v0  }
0xd9: {  	[tilespmem:s17+$0x5670] =	vst v0  }
0xda: {  	[tilespmem:s17+$0x5A00] =	vst v0  }
0xdb: {  	[tilespmem:s17+$0x5A10] =	vst v0  }
0xdc: {  	[tilespmem:s17+$0x5A20] =	vst v0  }
0xdd: {  	[tilespmem:s17+$0x5A30] =	vst v0  }
0xde: {  	[tilespmem:s17+$0x5A40] =	vst v0  }
0xdf: {  	[tilespmem:s17+$0x5A50] =	vst v0  }
0xe0: {  	[tilespmem:s17+$0x5A60] =	vst v0  }
0xe1: {  	[tilespmem:s17+$0x5A70] =	vst v0  }
0xe2: {  	[tilespmem:s17+$0x5E00] =	vst v0  }
0xe3: {  	[tilespmem:s17+$0x5E10] =	vst v0  }
0xe4: {  	[tilespmem:s17+$0x5E20] =	vst v0  }
0xe5: {  	[tilespmem:s17+$0x5E30] =	vst v0  }
0xe6: {  	[tilespmem:s17+$0x5E40] =	vst v0  }
0xe7: {  	[tilespmem:s17+$0x5E50] =	vst v0  }
0xe8: {  	[tilespmem:s17+$0x5E60] =	vst v0  }
0xe9: {  	s16 =	simm.s32 $0x10;
	s17 =	simm.s32 $0x0;
	v3 =	vld [tilespmem:s15+$0x0]  }
.LBB2_8:
0xea: {  	p0 =	sne.s32 s16, $0x1F0;
	_ =	sdelay $0x1  }
0xeb: {  	v4 =	vmov s15;
	v5 =	vor.u32 s15, v1;
	s15 =	smov.u32 s16  }
0xec: {  	v5 =	vand.u32 $0x7F, v5;
	v4 =	vshll.u32 v4, $0x3  }
0xed: {  	v4 =	vand.u32 $0xC00, v4;
	v6 =	vadd.s32 $0xFFFFFFD8, v3;
	v3 =	vshll.u32 v3, $0x7  }
0xee: {  	v4 =	vor.u32 v4, v5;
	v7 =	vshll.u32 v6, $0x9;
	v3 =	vand.u32 $0x380, v3  }
0xef: {  	vm0 =	vlt.u32 v6, $0x28;
	v5 =	vand.u32 $0xFFFFF000, v7;
	v3 =	vor.u32 v3, v4  }
0xf0: {  	v3 =	vor.u32 v5, v3;
	_ =	sdelay $0x1  }
.Ltmp3:
0xf1: {  	(pc) =	sbr.rel @p0 .LBB2_8-.Ltmp3, $3  }
0xf2: {  	_ =	sdelay $0x1  }
0xf3: {  	s17 =	sadd.s32 $0x10, s17;
	[tilespmem:v3+s12+$0x0] =	vst.idx.msk vm0, v2  }
0xf4: {  	s16 =	sadd.s32 $0x10, s16;
	v3 =	vld [tilespmem:s17+$0x0]  }
0xf5: {  	_ =	sdelay $0x1  }
0xf6: {  	v4 =	vmov s15;
	v5 =	vor.u32 s15, v1  }
0xf7: {  	v5 =	vand.u32 $0x7F, v5;
	v4 =	vshll.u32 v4, $0x3  }
0xf8: {  	v4 =	vand.u32 $0xC00, v4;
	v6 =	vadd.s32 $0xFFFFFFD8, v3;
	v3 =	vshll.u32 v3, $0x7  }
0xf9: {  	v4 =	vor.u32 v4, v5;
	v7 =	vshll.u32 v6, $0x9;
	v3 =	vand.u32 $0x380, v3  }
0xfa: {  	vm0 =	vlt.u32 v6, $0x28;
	v63 =	vand.u32 $0xFFFFF000, v7;
	v3 =	vor.u32 v3, v4  }
0xfb: {  	v3 =	vor.u32 v63, v3;
	_ =	sdelay $0x4  }
0xfc: {  	s15 =	simm.s32 $0x0;
	s16 =	simm.s32 $0x0;
	[tilespmem:v3+s12+$0x0] =	vst.idx.msk vm0, v2  }
0xfd: {  	[hbm4b:s5+s10] =	stream.strided.scatter [tilespmem:s12], [sflag:$0x2], $0x5000, s11, s10, $0x38;
	[tilespmem:$0xA200] =	vst v63  }
.LBB2_10:
0xfe: {  	_ =	swait.ge [sflag:s8], $0x5000  }
0xff: {  	[sflag:s8] =	ssyncset.done $0x0  }
0x100: {  	[sflag:s8] =	ssyncadd.s32 $0xFFFFB000  }
0x101: {  	v5 =	vld [tilespmem:s15+$0x0]  }
0x102: {  	s17 =	smul.u32 $0x50, s16;
	_ =	sdelay $0x1  }
0x103: {  	v6 =	vmov s15;
	v7 =	vor.u32 s15, v1;
	s18 =	sadd.s32 $0x50, s17  }
0x104: {  	v6 =	vshll.u32 v6, $0x3;
	v3 =	vmov s17;
	v4 =	vmov s18  }
0x105: {  	v7 =	vand.u32 $0x7F, v7;
	v8 =	vsub.s32 v5, v3;
	v9 =	vsub.s32 v5, v4  }
0x106: {  	v6 =	vand.u32 $0xC00, v6;
	v10 =	vshll.u32 v8, $0x9;
	v11 =	vshll.u32 v9, $0x9  }
0x107: {  	v5 =	vshll.u32 v5, $0x7;
	v10 =	vand.u32 $0xFFFFF000, v10;
	v11 =	vand.u32 $0xFFFFF000, v11  }
0x108: {  	v5 =	vand.u32 $0x380, v5;
	v10 =	vor.u32 v10, v6;
	v6 =	vor.u32 v11, v6  }
0x109: {  	vm1 =	vlt.u32 v8, $0x28;
	v63 =	vor.u32 v7, v10;
	v7 =	vor.u32 v7, v6  }
0x10a: {  	s19 =	simm.s32 $0x10;
	s20 =	simm.s32 $0x0;
	vm0 =	vlt.u32 v9, $0x28;
	v6 =	vor.u32 v5, v63;
	v5 =	vor.u32 v5, v7  }
.LBB2_11:
0x10b: {  	_ =	sdelay $0x1  }
0x10c: {  	p0 =	sne.s32 s19, $0x1F0  }
0x10d: {  	s20 =	sadd.s32 $0x10, s20;
	s21 =	smov.u32 s19;
	s19 =	sadd.s32 $0x10, s19  }
0x10e: {  	[tilespmem:v6+s9+$0x0] =	vst.idx.msk vm1, v0  }
0x10f: {  	[tilespmem:v5+s9+$0x0] =	vst.idx.msk vm0, v2  }
0x110: {  	v5 =	vld [tilespmem:s20+$0x0];
	_ =	sdelay $0x1  }
0x111: {  	v6 =	vmov s21;
	v7 =	vor.u32 s21, v1  }
0x112: {  	v6 =	vshll.u32 v6, $0x3  }
0x113: {  	v6 =	vand.u32 $0xC00, v6  }
0x114: {  	v8 =	vsub.s32 v5, v3;
	v9 =	vshll.u32 v5, $0x7;
	v5 =	vsub.s32 v5, v4  }
.Ltmp4:
0x115: {  	v10 =	vshll.u32 v8, $0x9;
	v9 =	vand.u32 $0x380, v9;
	v11 =	vshll.u32 v5, $0x9;
	(pc) =	sbr.rel @p0 .LBB2_11-.Ltmp4, $4  }
0x116: {  	v7 =	vand.u32 $0x7F, v7;
	v10 =	vand.u32 $0xFFFFF000, v10;
	v11 =	vand.u32 $0xFFFFF000, v11  }
0x117: {  	vm0 =	vlt.u32 v5, $0x28;
	v10 =	vor.u32 v10, v6;
	v5 =	vor.u32 v11, v6  }
0x118: {  	vm1 =	vlt.u32 v8, $0x28;
	v6 =	vor.u32 v7, v10;
	v5 =	vor.u32 v7, v5  }
0x119: {  	v6 =	vor.u32 v9, v6;
	v5 =	vor.u32 v9, v5  }
0x11a: {  	_ =	sdelay $0x4  }
0x11b: {  	[tilespmem:v6+s9+$0x0] =	vst.idx.msk vm1, v0;
	s18 =	sshll.u32 s18, $0xB  }
0x11c: {  	[tilespmem:v5+s9+$0x0] =	vst.idx.msk vm0, v2;
	s18 =	sadd.s32 s18, s3  }
0x11d: {  	[hbm4b:s18+s10] =	stream.strided.scatter [tilespmem:s9], [sflag:$0x1], $0x5000, s11, s10, $0x38;
	[tilespmem:$0xA200] =	vst v63  }
0x11e: {  	_ =	swait.ge [sflag:s13], $0x5000  }
0x11f: {  	[sflag:s13] =	ssyncset.done $0x0  }
0x120: {  	s18 =	simm.s32 $0x0;
	[sflag:s13] =	ssyncadd.s32 $0xFFFFB000  }
0x121: {  	v5 =	vld [tilespmem:s18+$0x0];
	_ =	sdelay $0x1  }
0x122: {  	s19 =	sadd.s32 $0x28, s17  }
0x123: {  	s17 =	sadd.s32 $0x78, s17;
	v3 =	vmov s19;
	v6 =	vmov s18  }
0x124: {  	v4 =	vmov s17;
	v7 =	vor.u32 s18, v1;
	v6 =	vshll.u32 v6, $0x3  }
0x125: {  	v7 =	vand.u32 $0x7F, v7;
	v8 =	vsub.s32 v5, v3;
	v9 =	vsub.s32 v5, v4  }
0x126: {  	v6 =	vand.u32 $0xC00, v6;
	v10 =	vshll.u32 v8, $0x9;
	v11 =	vshll.u32 v9, $0x9  }
0x127: {  	v5 =	vshll.u32 v5, $0x7;
	v10 =	vand.u32 $0xFFFFF000, v10;
	v11 =	vand.u32 $0xFFFFF000, v11  }
0x128: {  	v5 =	vand.u32 $0x380, v5;
	v10 =	vor.u32 v10, v6;
	v6 =	vor.u32 v11, v6  }
0x129: {  	vm1 =	vlt.u32 v8, $0x28;
	v63 =	vor.u32 v7, v10;
	v7 =	vor.u32 v7, v6  }
0x12a: {  	s19 =	simm.s32 $0x10;
	vm0 =	vlt.u32 v9, $0x28;
	v6 =	vor.u32 v5, v63;
	v5 =	vor.u32 v5, v7  }
.LBB2_13:
0x12b: {  	_ =	sdelay $0x1  }
0x12c: {  	p0 =	sne.s32 s19, $0x1F0  }
0x12d: {  	s18 =	sadd.s32 $0x10, s18;
	s20 =	smov.u32 s19;
	s19 =	sadd.s32 $0x10, s19  }
0x12e: {  	[tilespmem:v6+s12+$0x0] =	vst.idx.msk vm1, v0  }
0x12f: {  	[tilespmem:v5+s12+$0x0] =	vst.idx.msk vm0, v2  }
0x130: {  	v5 =	vld [tilespmem:s18+$0x0];
	_ =	sdelay $0x1  }
0x131: {  	v6 =	vmov s20;
	v7 =	vor.u32 s20, v1  }
0x132: {  	v6 =	vshll.u32 v6, $0x3  }
0x133: {  	v6 =	vand.u32 $0xC00, v6  }
0x134: {  	v8 =	vsub.s32 v5, v3;
	v9 =	vshll.u32 v5, $0x7;
	v5 =	vsub.s32 v5, v4  }
.Ltmp5:
0x135: {  	v10 =	vshll.u32 v8, $0x9;
	v9 =	vand.u32 $0x380, v9;
	v11 =	vshll.u32 v5, $0x9;
	(pc) =	sbr.rel @p0 .LBB2_13-.Ltmp5, $4  }
0x136: {  	v7 =	vand.u32 $0x7F, v7;
	v10 =	vand.u32 $0xFFFFF000, v10;
	v11 =	vand.u32 $0xFFFFF000, v11  }
0x137: {  	vm0 =	vlt.u32 v5, $0x28;
	v10 =	vor.u32 v10, v6;
	v5 =	vor.u32 v11, v6  }
0x138: {  	vm1 =	vlt.u32 v8, $0x28;
	v6 =	vor.u32 v7, v10;
	v5 =	vor.u32 v7, v5  }
0x139: {  	v6 =	vor.u32 v9, v6;
	v5 =	vor.u32 v9, v5  }
0x13a: {  	_ = 	snop  }
0x13b: {  	s16 =	sadd.s32 $0x1, s16  }
0x13c: {  	p0 =	sne.s32 s16, $0xB  }
.Ltmp6:
0x13d: {  	_ = 	snop;
	(pc) =	sbr.rel @p0 .LBB2_10-.Ltmp6, $4  }
0x13e: {  	_ = 	snop  }
0x13f: {  	[tilespmem:v6+s12+$0x0] =	vst.idx.msk vm1, v0;
	s17 =	sshll.u32 s17, $0xB  }
0x140: {  	[tilespmem:v5+s12+$0x0] =	vst.idx.msk vm0, v2;
	s17 =	sadd.s32 s17, s3  }
0x141: {  	[hbm4b:s17+s10] =	stream.strided.scatter [tilespmem:s12], [sflag:$0x2], $0x5000, s11, s10, $0x38;
	[tilespmem:$0xA200] =	vst v63  }
0x142: {  	_ =	swait.ge [sflag:s8], $0x5000  }
0x143: {  	[sflag:s8] =	ssyncset.done $0x0  }
0x144: {  	s15 =	simm.s32 $0x0;
	[sflag:s8] =	ssyncadd.s32 $0xFFFFB000  }
0x145: {  	v3 =	vld [tilespmem:s15+$0x0];
	_ =	sdelay $0x2  }
0x146: {  	v4 =	vmov s15;
	v5 =	vor.u32 s15, v1  }
0x147: {  	v4 =	vshll.u32 v4, $0x3;
	v5 =	vand.u32 $0x7F, v5  }
0x148: {  	v4 =	vand.u32 $0xC00, v4;
	v6 =	vadd.s32 $0xFFFFFC90, v3;
	v7 =	vadd.s32 $0xFFFFFC40, v3  }
0x149: {  	v3 =	vshll.u32 v3, $0x7;
	v8 =	vshll.u32 v6, $0x9;
	v9 =	vshll.u32 v7, $0x9  }
0x14a: {  	v3 =	vand.u32 $0x380, v3;
	v8 =	vand.u32 $0xFFFFF000, v8;
	v9 =	vand.u32 $0xFFFFF000, v9  }
0x14b: {  	vm0 =	vlt.u32 v7, $0x28;
	v8 =	vor.u32 v8, v4;
	v4 =	vor.u32 v9, v4  }
0x14c: {  	vm1 =	vlt.u32 v6, $0x28;
	v7 =	vor.u32 v5, v8;
	v5 =	vor.u32 v5, v4  }
0x14d: {  	s16 =	simm.s32 $0x10;
	v4 =	vor.u32 v3, v7;
	v3 =	vor.u32 v3, v5  }
.LBB2_16:
0x14e: {  	_ =	sdelay $0x1  }
0x14f: {  	p0 =	sne.s32 s16, $0x1F0  }
0x150: {  	s15 =	sadd.s32 $0x10, s15;
	s17 =	smov.u32 s16;
	s16 =	sadd.s32 $0x10, s16  }
0x151: {  	[tilespmem:v4+s9+$0x0] =	vst.idx.msk vm1, v0  }
0x152: {  	[tilespmem:v3+s9+$0x0] =	vst.idx.msk vm0, v2  }
0x153: {  	v3 =	vld [tilespmem:s15+$0x0];
	_ =	sdelay $0x1  }
0x154: {  	v4 =	vmov s17;
	v5 =	vor.u32 s17, v1  }
0x155: {  	v4 =	vshll.u32 v4, $0x3  }
0x156: {  	v4 =	vand.u32 $0xC00, v4  }
0x157: {  	v6 =	vadd.s32 $0xFFFFFC90, v3;
	v7 =	vshll.u32 v3, $0x7;
	v3 =	vadd.s32 $0xFFFFFC40, v3  }
.Ltmp7:
0x158: {  	v8 =	vshll.u32 v6, $0x9;
	v7 =	vand.u32 $0x380, v7;
	v9 =	vshll.u32 v3, $0x9;
	(pc) =	sbr.rel @p0 .LBB2_16-.Ltmp7, $4  }
0x159: {  	v5 =	vand.u32 $0x7F, v5;
	v8 =	vand.u32 $0xFFFFF000, v8;
	v9 =	vand.u32 $0xFFFFF000, v9  }
0x15a: {  	vm0 =	vlt.u32 v3, $0x28;
	v8 =	vor.u32 v8, v4;
	v3 =	vor.u32 v9, v4  }
0x15b: {  	vm1 =	vlt.u32 v6, $0x28;
	v4 =	vor.u32 v5, v8;
	v3 =	vor.u32 v5, v3  }
0x15c: {  	v4 =	vor.u32 v7, v4;
	v3 =	vor.u32 v7, v3  }
0x15d: {  	_ =	sdelay $0x4  }
0x15e: {  	[tilespmem:v4+s9+$0x0] =	vst.idx.msk vm1, v0  }
0x15f: {  	s14 =	sadd.s32 $0x1, s14;
	[tilespmem:v3+s9+$0x0] =	vst.idx.msk vm0, v2  }
0x160: {  	[hbm4b:s6+s10] =	stream.strided.scatter [tilespmem:s9], [sflag:$0x1], $0x5000, s11, s10, $0x38;
	[tilespmem:$0xA200] =	vst v63  }
0x161: {  	p0 =	sne.s32 s14, s7;
	_ =	swait.ge [sflag:s13], $0x5000  }
.Ltmp8:
0x162: {  	[sflag:s13] =	ssyncset.done $0x0;
	(pc) =	sbr.rel @p0 .LBB2_1-.Ltmp8, $4  }
0x163: {  	[sflag:s13] =	ssyncadd.s32 $0xFFFFB000  }
0x164: {  	_ =	swait.ge [sflag:s8], $0x5000  }
0x165: {  	[sflag:s8] =	ssyncset.done $0x0  }
0x166: {  	[sflag:s8] =	ssyncadd.s32 $0xFFFFB000  }
0x167: {  	_ =	sfence.sel $0x180000  }
0x168: {  	[bflag:$0x0] =	sbarrier.arrive $0xFFFF  }
0x169: {  	p0 =	sne.s32 s1, $0x0;
	_ =	strace $0x90000047  }
0x16a: {  	s0 =	sadd.s32 @!p0 $0x100000, s0;
	[bflag:$0x2] =	sbarrier.arrive $0xFFFF  }
0x16b: {  	[sflag:s0] =	ssyncadd.tile.s32 @!p0 $0x1;
	_ =	shalt  }
.Lfunc_end2:
_tile_overlayer_lowered:
.L_overlay_start_2:
0x16c: {  	(tag) =	ssettag $0x2  }
0x16d: {  	s0 =	rddreg [dreg:$0x0];
	s2 =	stileid.u32  }
0x16e: {  	s1 =	rddreg [dreg:$0x1];
	p0 =	sne.s32 s2, $0x0  }
0x16f: {  	s3 =	rddreg [dreg:$0x2];
	[bflag:$0x3] =	sbarrier.arrive $0xFFFF;
	s2 =	simm.s32 @!p0 $0x1C03  }
0x170: {  	[timem:s3], [sflag:s2] =	dma.local @!p0 [hbm:s0], s1  }
0x171: {  	s0 =	simm.s32 @!p0 $0x3  }
0x172: {  	_ =	swait.ge @!p0 [sflag:s0], s1  }
0x173: {  	s1 =	ssub.s32 @!p0 $0x0, s1;
	[sflag:s0] =	ssyncset.done @!p0 $0x0  }
0x174: {  	[sflag:s0] =	ssyncadd.s32 @!p0 s1  }
0x175: {  	[bflag:$0x3] =	sbarrier.arrive $0xFFFF  }
0x176: {  	_ =	shalt  }

</sc_bundles>
